<compile_context>
chip_gen: v7x
topology: tpu7x:2x2x1
jax: 0.10.2.dev20260603
libtpu: 0.0.44.dev20260713+nightly
codegen_flags: <defaults>
</compile_context>

<pallas_src>
import functools

import jax
import jax.numpy as jnp
from jax import lax
from jax.experimental import pallas as pl
from jax.experimental.pallas import tpu as pltpu
from jax.experimental.pallas import tpu_sc as plsc

VOCAB = 1000
DIM = 16
BATCH = 16384

_info = plsc.get_sparse_core_info()
_NC, _NS, _L = _info.num_cores, _info.num_subcores, _info.num_lanes
_NW = _NC * _NS
_BPW = BATCH // _NW
_GROUPS = _BPW // _L

_mesh = plsc.VectorSubcoreMesh(core_axis_name="c", subcore_axis_name="s")

_DNUMS = lax.GatherDimensionNumbers(
    offset_dims=(), collapsed_slice_dims=(0,), start_index_map=(0,)
)


def _bcast_lane(vec, k):
    idx = jnp.full((_L,), k, jnp.int32).reshape(_L, 1)
    return lax.gather(
        vec, idx, _DNUMS, slice_sizes=(1,),
        mode=lax.GatherScatterMode.PROMISE_IN_BOUNDS,
    )


@functools.partial(
    pl.kernel,
    mesh=_mesh,
    compiler_params=pltpu.CompilerParams(needs_layout_passes=False),
    out_type=jax.ShapeDtypeStruct((BATCH, DIM), jnp.float32),
    scratch_types=[
        pltpu.VMEM((128, 128), jnp.float32),
        pltpu.VMEM((_BPW,), jnp.int32),
        pltpu.VMEM((_BPW, DIM), jnp.float32),
        pltpu.SemaphoreType.DMA,
    ],
)
def _lookup_gather(idx_hbm, table_hbm, out_hbm, table_v, idx_v, rows_v, sem):
    wid = lax.axis_index("s") * _NC + lax.axis_index("c")
    base = wid * _BPW
    tab_cp = pltpu.async_copy(table_hbm, table_v, sem)
    pltpu.sync_copy(idx_hbm.at[pl.ds(base, _BPW)], idx_v)
    tab_cp.wait()
    lane = lax.iota(jnp.int32, _L)

    for g in range(_GROUPS):
        v = idx_v[pl.ds(g * _L, _L)]
        ok = (v >= 0) & (v < VOCAB)
        idx_v[pl.ds(g * _L, _L)] = jnp.where(ok, v + 1, 0)

    @plsc.parallel_loop(0, _BPW, 1, unroll=8)
    def row_body(i):
        m = idx_v[pl.ds((i >> 4) << 4, _L)]
        mb = _bcast_lane(m, i & 15)
        row = plsc.load_gather(table_v, [mb >> 3, ((mb & 7) << 4) + lane])
        rows_v[i, :] = row

    pltpu.sync_copy(rows_v, out_hbm.at[pl.ds(base, _BPW)])


def kernel(inputs, table):
    idx = inputs.reshape(BATCH)
    packed = jnp.pad(table, ((0, 1024 - (VOCAB + 1)), (0, 0))).reshape(128, 128)
    return _lookup_gather(idx, packed)

# --- scband reference (transcript-rebuilt; emitter-appended) ---
"""Pipeline reference for scband-integer-lookup-embedding-layer-43877385896382 (READ-ONLY COPY).

The authoritative reference and input builder live on the scoring server;
editing this copy changes nothing except your own understanding.
"""

import jax, jax.numpy as jnp
import numpy as np

VOCAB_SIZE = 1000
EMBED_DIM = 16
BATCH = 16384

def setup_inputs(seed: int = 0):
    key = jax.random.key(seed)
    k1, k2 = jax.random.split(key)
    inputs = jax.random.randint(k1, (BATCH, 1), 0, VOCAB_SIZE, dtype=jnp.int32)
    # glorot_normal init for the embedding table, shape (vocab+1, dim) per Keras
    # Embedding(input_dim=len(voc_list)+1, output_dim=embedding_dimension)
    scale = np.sqrt(2.0 / ((VOCAB_SIZE + 1) + EMBED_DIM)).astype(np.float32)
    table = jax.random.normal(k2, (VOCAB_SIZE + 1, EMBED_DIM), dtype=jnp.float32) * scale
    return {"inputs": inputs, "table": table}

def reference(inputs, table):
    # Keras IntegerLookup with vocabulary=list(range(VOCAB_SIZE)) and the default
    # num_oov_indices=1 maps a known value v to index v + 1 (position in vocab + 1)
    # and any out-of-vocabulary value to OOV index 0.
    in_range = (inputs >= 0) & (inputs < VOCAB_SIZE)
    idx = jnp.where(in_range, inputs + 1, 0)
    # Embedding lookup (gather) then Reshape((EMBED_DIM,)) -> (BATCH, EMBED_DIM)
    emb = jnp.take(table, idx.reshape(-1), axis=0)
    return emb.reshape(BATCH, EMBED_DIM)

if __name__ == "__main__":
    import jax
    _d = setup_inputs()
    print(jax.jit(kernel)(*tuple(_d.values())))

</pallas_src>

<mosaic_0001>
#map = affine_map<(d0, d1) -> (0)>
#map1 = affine_map<(d0, d1) -> (0, 0)>
module attributes {stable_mosaic.version = 14 : i64} {
  func.func @_lookup_gather(%arg0: i32, %arg1: i32, %arg2: memref<16384xi32, #tpu.memory_space<hbm>>, %arg3: memref<128x128xf32, #tpu.memory_space<hbm>>, %arg4: memref<16384x16xf32, #tpu.memory_space<hbm>>, %arg5: memref<128x128xf32, #tpu.memory_space<vmem>>, %arg6: memref<512xi32, #tpu.memory_space<vmem>>, %arg7: memref<512x16xf32, #tpu.memory_space<vmem>>, %arg8: memref<!tpu.dma_semaphore, #tpu.memory_space<semaphore_mem>>) attributes {dimension_semantics = [#tpu.dimension_semantics<core_parallel>, #tpu.dimension_semantics<subcore_parallel>], iteration_bounds = array<i64: 2, 16>, scalar_prefetch = 0 : i64, scratch_operands = 4 : i64, tpu.core_type = #tpu.core_type<sc_vector_subcore>, window_params = [{transform_indices = #map}, {transform_indices = #map1}, {transform_indices = #map1}]} {
    %mul3A = arith.constant 2 : i32
    %mul3A_0 = arith.muli %arg1, %mul3A : i32
    %add3A = arith.addi %mul3A_0, %arg0 : i32
    %mul3A_1 = arith.constant 512 : i32
    %mul3A_2 = arith.muli %add3A, %mul3A_1 : i32
    tpu.enqueue_dma source(%arg3 : memref<128x128xf32, #tpu.memory_space<hbm>>) target(%arg5 : memref<128x128xf32, #tpu.memory_space<vmem>>) target_semaphore(%arg8 : memref<!tpu.dma_semaphore, #tpu.memory_space<semaphore_mem>>)
    "tpu.region"() ({
      %run_scoped3A = tpu.sem_alloc : memref<!tpu.dma_semaphore, #tpu.memory_space<semaphore_mem>>
      %dma_start3A = tpu.memref_slice %arg2[%mul3A_2] : memref<16384xi32, #tpu.memory_space<hbm>> -> memref<512xi32, #tpu.memory_space<hbm>>
      %dma_start3A_541 = tpu.memref_slice %arg2[%mul3A_2] : memref<16384xi32, #tpu.memory_space<hbm>> -> memref<512xi32, #tpu.memory_space<hbm>>
      tpu.enqueue_dma source(%dma_start3A_541 : memref<512xi32, #tpu.memory_space<hbm>>) target(%arg6 : memref<512xi32, #tpu.memory_space<vmem>>) target_semaphore(%run_scoped3A : memref<!tpu.dma_semaphore, #tpu.memory_space<semaphore_mem>>)
      %dma_wait3A = tpu.memref_slice %arg2[%mul3A_2] : memref<16384xi32, #tpu.memory_space<hbm>> -> memref<512xi32, #tpu.memory_space<hbm>>
      %dma_wait3A_542 = tpu.memref_slice %arg2[%mul3A_2] : memref<16384xi32, #tpu.memory_space<hbm>> -> memref<512xi32, #tpu.memory_space<hbm>>
      tpu.wait_dma2 semaphore(%run_scoped3A : memref<!tpu.dma_semaphore, #tpu.memory_space<semaphore_mem>>) src(%dma_wait3A_542 : memref<512xi32, #tpu.memory_space<hbm>>) dst(%arg6 : memref<512xi32, #tpu.memory_space<vmem>>)
      tpu.yield
    }) : () -> ()
    tpu.wait_dma2 semaphore(%arg8 : memref<!tpu.dma_semaphore, #tpu.memory_space<semaphore_mem>>) src(%arg3 : memref<128x128xf32, #tpu.memory_space<hbm>>) dst(%arg5 : memref<128x128xf32, #tpu.memory_space<vmem>>)
    %iota3A = tpu.iota {dimensions = array<i32: 0>} : vector<16xi32>
    %get3A = arith.constant 0 : index
    %get3A_3 = tpu.vector_load %arg6[%get3A] {strides = array<i32>} : memref<512xi32, #tpu.memory_space<vmem>>, vector<16xi32>,
    %ge3A = arith.constant 0 : i32
    %ge3A_4 = vector.broadcast %ge3A : i32 to vector<16xi32>
    %ge3A_5 = arith.cmpi sge, %get3A_3, %ge3A_4 : vector<16xi32>
    %lt3A = arith.constant 1000 : i32
    %lt3A_6 = vector.broadcast %lt3A : i32 to vector<16xi32>
    %lt3A_7 = arith.cmpi slt, %get3A_3, %lt3A_6 : vector<16xi32>
    %and3A = arith.andi %ge3A_5, %lt3A_7 : vector<16xi1>
    %add3A_8 = arith.constant 1 : i32
    %add3A_9 = vector.broadcast %add3A_8 : i32 to vector<16xi32>
    %add3A_10 = arith.addi %get3A_3, %add3A_9 : vector<16xi32>
    %jit3A = arith.constant 0 : i32
    %broadcast_in_dim3A = vector.broadcast %jit3A : i32 to vector<16xi32>
    %select_n3A = arith.select %and3A, %add3A_10, %broadcast_in_dim3A : vector<16xi1>, vector<16xi32>
    %swap3A = arith.constant 0 : index
    %swap3A_11 = tpu.vector_load %arg6[%swap3A] {strides = array<i32>} : memref<512xi32, #tpu.memory_space<vmem>>, vector<16xi32>,
    tpu.vector_store %arg6[%swap3A], %select_n3A {strides = array<i32>} : memref<512xi32, #tpu.memory_space<vmem>>, vector<16xi32>,
    %get3A_12 = arith.constant 16 : index
    %get3A_13 = tpu.vector_load %arg6[%get3A_12] {strides = array<i32>} : memref<512xi32, #tpu.memory_space<vmem>>, vector<16xi32>,
    %ge3A_14 = arith.constant 0 : i32
    %ge3A_15 = vector.broadcast %ge3A_14 : i32 to vector<16xi32>
    %ge3A_16 = arith.cmpi sge, %get3A_13, %ge3A_15 : vector<16xi32>
    %lt3A_17 = arith.constant 1000 : i32
    %lt3A_18 = vector.broadcast %lt3A_17 : i32 to vector<16xi32>
    %lt3A_19 = arith.cmpi slt, %get3A_13, %lt3A_18 : vector<16xi32>
    %and3A_20 = arith.andi %ge3A_16, %lt3A_19 : vector<16xi1>
    %add3A_21 = arith.constant 1 : i32
    %add3A_22 = vector.broadcast %add3A_21 : i32 to vector<16xi32>
    %add3A_23 = arith.addi %get3A_13, %add3A_22 : vector<16xi32>
    %jit3A_24 = arith.constant 0 : i32
    %broadcast_in_dim3A_25 = vector.broadcast %jit3A_24 : i32 to vector<16xi32>
    %select_n3A_26 = arith.select %and3A_20, %add3A_23, %broadcast_in_dim3A_25 : vector<16xi1>, vector<16xi32>
    %swap3A_27 = arith.constant 16 : index
    %swap3A_28 = tpu.vector_load %arg6[%swap3A_27] {strides = array<i32>} : memref<512xi32, #tpu.memory_space<vmem>>, vector<16xi32>,
    tpu.vector_store %arg6[%swap3A_27], %select_n3A_26 {strides = array<i32>} : memref<512xi32, #tpu.memory_space<vmem>>, vector<16xi32>,
    %get3A_29 = arith.constant 32 : index
    %get3A_30 = tpu.vector_load %arg6[%get3A_29] {strides = array<i32>} : memref<512xi32, #tpu.memory_space<vmem>>, vector<16xi32>,
    %ge3A_31 = arith.constant 0 : i32
    %ge3A_32 = vector.broadcast %ge3A_31 : i32 to vector<16xi32>
    %ge3A_33 = arith.cmpi sge, %get3A_30, %ge3A_32 : vector<16xi32>
    %lt3A_34 = arith.constant 1000 : i32
    %lt3A_35 = vector.broadcast %lt3A_34 : i32 to vector<16xi32>
    %lt3A_36 = arith.cmpi slt, %get3A_30, %lt3A_35 : vector<16xi32>
    %and3A_37 = arith.andi %ge3A_33, %lt3A_36 : vector<16xi1>
    %add3A_38 = arith.constant 1 : i32
    %add3A_39 = vector.broadcast %add3A_38 : i32 to vector<16xi32>
    %add3A_40 = arith.addi %get3A_30, %add3A_39 : vector<16xi32>
    %jit3A_41 = arith.constant 0 : i32
    %broadcast_in_dim3A_42 = vector.broadcast %jit3A_41 : i32 to vector<16xi32>
    %select_n3A_43 = arith.select %and3A_37, %add3A_40, %broadcast_in_dim3A_42 : vector<16xi1>, vector<16xi32>
    %swap3A_44 = arith.constant 32 : index
    %swap3A_45 = tpu.vector_load %arg6[%swap3A_44] {strides = array<i32>} : memref<512xi32, #tpu.memory_space<vmem>>, vector<16xi32>,
    tpu.vector_store %arg6[%swap3A_44], %select_n3A_43 {strides = array<i32>} : memref<512xi32, #tpu.memory_space<vmem>>, vector<16xi32>,
    %get3A_46 = arith.constant 48 : index
    %get3A_47 = tpu.vector_load %arg6[%get3A_46] {strides = array<i32>} : memref<512xi32, #tpu.memory_space<vmem>>, vector<16xi32>,
    %ge3A_48 = arith.constant 0 : i32
    %ge3A_49 = vector.broadcast %ge3A_48 : i32 to vector<16xi32>
    %ge3A_50 = arith.cmpi sge, %get3A_47, %ge3A_49 : vector<16xi32>
    %lt3A_51 = arith.constant 1000 : i32
    %lt3A_52 = vector.broadcast %lt3A_51 : i32 to vector<16xi32>
    %lt3A_53 = arith.cmpi slt, %get3A_47, %lt3A_52 : vector<16xi32>
    %and3A_54 = arith.andi %ge3A_50, %lt3A_53 : vector<16xi1>
    %add3A_55 = arith.constant 1 : i32
    %add3A_56 = vector.broadcast %add3A_55 : i32 to vector<16xi32>
    %add3A_57 = arith.addi %get3A_47, %add3A_56 : vector<16xi32>
    %jit3A_58 = arith.constant 0 : i32
    %broadcast_in_dim3A_59 = vector.broadcast %jit3A_58 : i32 to vector<16xi32>
    %select_n3A_60 = arith.select %and3A_54, %add3A_57, %broadcast_in_dim3A_59 : vector<16xi1>, vector<16xi32>
    %swap3A_61 = arith.constant 48 : index
    %swap3A_62 = tpu.vector_load %arg6[%swap3A_61] {strides = array<i32>} : memref<512xi32, #tpu.memory_space<vmem>>, vector<16xi32>,
    tpu.vector_store %arg6[%swap3A_61], %select_n3A_60 {strides = array<i32>} : memref<512xi32, #tpu.memory_space<vmem>>, vector<16xi32>,
    %get3A_63 = arith.constant 64 : index
    %get3A_64 = tpu.vector_load %arg6[%get3A_63] {strides = array<i32>} : memref<512xi32, #tpu.memory_space<vmem>>, vector<16xi32>,
    %ge3A_65 = arith.constant 0 : i32
    %ge3A_66 = vector.broadcast %ge3A_65 : i32 to vector<16xi32>
    %ge3A_67 = arith.cmpi sge, %get3A_64, %ge3A_66 : vector<16xi32>
    %lt3A_68 = arith.constant 1000 : i32
    %lt3A_69 = vector.broadcast %lt3A_68 : i32 to vector<16xi32>
    %lt3A_70 = arith.cmpi slt, %get3A_64, %lt3A_69 : vector<16xi32>
    %and3A_71 = arith.andi %ge3A_67, %lt3A_70 : vector<16xi1>
    %add3A_72 = arith.constant 1 : i32
    %add3A_73 = vector.broadcast %add3A_72 : i32 to vector<16xi32>
    %add3A_74 = arith.addi %get3A_64, %add3A_73 : vector<16xi32>
    %jit3A_75 = arith.constant 0 : i32
    %broadcast_in_dim3A_76 = vector.broadcast %jit3A_75 : i32 to vector<16xi32>
    %select_n3A_77 = arith.select %and3A_71, %add3A_74, %broadcast_in_dim3A_76 : vector<16xi1>, vector<16xi32>
    %swap3A_78 = arith.constant 64 : index
    %swap3A_79 = tpu.vector_load %arg6[%swap3A_78] {strides = array<i32>} : memref<512xi32, #tpu.memory_space<vmem>>, vector<16xi32>,
    tpu.vector_store %arg6[%swap3A_78], %select_n3A_77 {strides = array<i32>} : memref<512xi32, #tpu.memory_space<vmem>>, vector<16xi32>,
    %get3A_80 = arith.constant 80 : index
    %get3A_81 = tpu.vector_load %arg6[%get3A_80] {strides = array<i32>} : memref<512xi32, #tpu.memory_space<vmem>>, vector<16xi32>,
    %ge3A_82 = arith.constant 0 : i32
    %ge3A_83 = vector.broadcast %ge3A_82 : i32 to vector<16xi32>
    %ge3A_84 = arith.cmpi sge, %get3A_81, %ge3A_83 : vector<16xi32>
    %lt3A_85 = arith.constant 1000 : i32
    %lt3A_86 = vector.broadcast %lt3A_85 : i32 to vector<16xi32>
    %lt3A_87 = arith.cmpi slt, %get3A_81, %lt3A_86 : vector<16xi32>
    %and3A_88 = arith.andi %ge3A_84, %lt3A_87 : vector<16xi1>
    %add3A_89 = arith.constant 1 : i32
    %add3A_90 = vector.broadcast %add3A_89 : i32 to vector<16xi32>
    %add3A_91 = arith.addi %get3A_81, %add3A_90 : vector<16xi32>
    %jit3A_92 = arith.constant 0 : i32
    %broadcast_in_dim3A_93 = vector.broadcast %jit3A_92 : i32 to vector<16xi32>
    %select_n3A_94 = arith.select %and3A_88, %add3A_91, %broadcast_in_dim3A_93 : vector<16xi1>, vector<16xi32>
    %swap3A_95 = arith.constant 80 : index
    %swap3A_96 = tpu.vector_load %arg6[%swap3A_95] {strides = array<i32>} : memref<512xi32, #tpu.memory_space<vmem>>, vector<16xi32>,
    tpu.vector_store %arg6[%swap3A_95], %select_n3A_94 {strides = array<i32>} : memref<512xi32, #tpu.memory_space<vmem>>, vector<16xi32>,
    %get3A_97 = arith.constant 96 : index
    %get3A_98 = tpu.vector_load %arg6[%get3A_97] {strides = array<i32>} : memref<512xi32, #tpu.memory_space<vmem>>, vector<16xi32>,
    %ge3A_99 = arith.constant 0 : i32
    %ge3A_100 = vector.broadcast %ge3A_99 : i32 to vector<16xi32>
    %ge3A_101 = arith.cmpi sge, %get3A_98, %ge3A_100 : vector<16xi32>
    %lt3A_102 = arith.constant 1000 : i32
    %lt3A_103 = vector.broadcast %lt3A_102 : i32 to vector<16xi32>
    %lt3A_104 = arith.cmpi slt, %get3A_98, %lt3A_103 : vector<16xi32>
    %and3A_105 = arith.andi %ge3A_101, %lt3A_104 : vector<16xi1>
    %add3A_106 = arith.constant 1 : i32
    %add3A_107 = vector.broadcast %add3A_106 : i32 to vector<16xi32>
    %add3A_108 = arith.addi %get3A_98, %add3A_107 : vector<16xi32>
    %jit3A_109 = arith.constant 0 : i32
    %broadcast_in_dim3A_110 = vector.broadcast %jit3A_109 : i32 to vector<16xi32>
    %select_n3A_111 = arith.select %and3A_105, %add3A_108, %broadcast_in_dim3A_110 : vector<16xi1>, vector<16xi32>
    %swap3A_112 = arith.constant 96 : index
    %swap3A_113 = tpu.vector_load %arg6[%swap3A_112] {strides = array<i32>} : memref<512xi32, #tpu.memory_space<vmem>>, vector<16xi32>,
    tpu.vector_store %arg6[%swap3A_112], %select_n3A_111 {strides = array<i32>} : memref<512xi32, #tpu.memory_space<vmem>>, vector<16xi32>,
    %get3A_114 = arith.constant 112 : index
    %get3A_115 = tpu.vector_load %arg6[%get3A_114] {strides = array<i32>} : memref<512xi32, #tpu.memory_space<vmem>>, vector<16xi32>,
    %ge3A_116 = arith.constant 0 : i32
    %ge3A_117 = vector.broadcast %ge3A_116 : i32 to vector<16xi32>
    %ge3A_118 = arith.cmpi sge, %get3A_115, %ge3A_117 : vector<16xi32>
    %lt3A_119 = arith.constant 1000 : i32
    %lt3A_120 = vector.broadcast %lt3A_119 : i32 to vector<16xi32>
    %lt3A_121 = arith.cmpi slt, %get3A_115, %lt3A_120 : vector<16xi32>
    %and3A_122 = arith.andi %ge3A_118, %lt3A_121 : vector<16xi1>
    %add3A_123 = arith.constant 1 : i32
    %add3A_124 = vector.broadcast %add3A_123 : i32 to vector<16xi32>
    %add3A_125 = arith.addi %get3A_115, %add3A_124 : vector<16xi32>
    %jit3A_126 = arith.constant 0 : i32
    %broadcast_in_dim3A_127 = vector.broadcast %jit3A_126 : i32 to vector<16xi32>
    %select_n3A_128 = arith.select %and3A_122, %add3A_125, %broadcast_in_dim3A_127 : vector<16xi1>, vector<16xi32>
    %swap3A_129 = arith.constant 112 : index
    %swap3A_130 = tpu.vector_load %arg6[%swap3A_129] {strides = array<i32>} : memref<512xi32, #tpu.memory_space<vmem>>, vector<16xi32>,
    tpu.vector_store %arg6[%swap3A_129], %select_n3A_128 {strides = array<i32>} : memref<512xi32, #tpu.memory_space<vmem>>, vector<16xi32>,
    %get3A_131 = arith.constant 128 : index
    %get3A_132 = tpu.vector_load %arg6[%get3A_131] {strides = array<i32>} : memref<512xi32, #tpu.memory_space<vmem>>, vector<16xi32>,
    %ge3A_133 = arith.constant 0 : i32
    %ge3A_134 = vector.broadcast %ge3A_133 : i32 to vector<16xi32>
    %ge3A_135 = arith.cmpi sge, %get3A_132, %ge3A_134 : vector<16xi32>
    %lt3A_136 = arith.constant 1000 : i32
    %lt3A_137 = vector.broadcast %lt3A_136 : i32 to vector<16xi32>
    %lt3A_138 = arith.cmpi slt, %get3A_132, %lt3A_137 : vector<16xi32>
    %and3A_139 = arith.andi %ge3A_135, %lt3A_138 : vector<16xi1>
    %add3A_140 = arith.constant 1 : i32
    %add3A_141 = vector.broadcast %add3A_140 : i32 to vector<16xi32>
    %add3A_142 = arith.addi %get3A_132, %add3A_141 : vector<16xi32>
    %jit3A_143 = arith.constant 0 : i32
    %broadcast_in_dim3A_144 = vector.broadcast %jit3A_143 : i32 to vector<16xi32>
    %select_n3A_145 = arith.select %and3A_139, %add3A_142, %broadcast_in_dim3A_144 : vector<16xi1>, vector<16xi32>
    %swap3A_146 = arith.constant 128 : index
    %swap3A_147 = tpu.vector_load %arg6[%swap3A_146] {strides = array<i32>} : memref<512xi32, #tpu.memory_space<vmem>>, vector<16xi32>,
    tpu.vector_store %arg6[%swap3A_146], %select_n3A_145 {strides = array<i32>} : memref<512xi32, #tpu.memory_space<vmem>>, vector<16xi32>,
    %get3A_148 = arith.constant 144 : index
    %get3A_149 = tpu.vector_load %arg6[%get3A_148] {strides = array<i32>} : memref<512xi32, #tpu.memory_space<vmem>>, vector<16xi32>,
    %ge3A_150 = arith.constant 0 : i32
    %ge3A_151 = vector.broadcast %ge3A_150 : i32 to vector<16xi32>
    %ge3A_152 = arith.cmpi sge, %get3A_149, %ge3A_151 : vector<16xi32>
    %lt3A_153 = arith.constant 1000 : i32
    %lt3A_154 = vector.broadcast %lt3A_153 : i32 to vector<16xi32>
    %lt3A_155 = arith.cmpi slt, %get3A_149, %lt3A_154 : vector<16xi32>
    %and3A_156 = arith.andi %ge3A_152, %lt3A_155 : vector<16xi1>
    %add3A_157 = arith.constant 1 : i32
    %add3A_158 = vector.broadcast %add3A_157 : i32 to vector<16xi32>
    %add3A_159 = arith.addi %get3A_149, %add3A_158 : vector<16xi32>
    %jit3A_160 = arith.constant 0 : i32
    %broadcast_in_dim3A_161 = vector.broadcast %jit3A_160 : i32 to vector<16xi32>
    %select_n3A_162 = arith.select %and3A_156, %add3A_159, %broadcast_in_dim3A_161 : vector<16xi1>, vector<16xi32>
    %swap3A_163 = arith.constant 144 : index
    %swap3A_164 = tpu.vector_load %arg6[%swap3A_163] {strides = array<i32>} : memref<512xi32, #tpu.memory_space<vmem>>, vector<16xi32>,
    tpu.vector_store %arg6[%swap3A_163], %select_n3A_162 {strides = array<i32>} : memref<512xi32, #tpu.memory_space<vmem>>, vector<16xi32>,
    %get3A_165 = arith.constant 160 : index
    %get3A_166 = tpu.vector_load %arg6[%get3A_165] {strides = array<i32>} : memref<512xi32, #tpu.memory_space<vmem>>, vector<16xi32>,
    %ge3A_167 = arith.constant 0 : i32
    %ge3A_168 = vector.broadcast %ge3A_167 : i32 to vector<16xi32>
    %ge3A_169 = arith.cmpi sge, %get3A_166, %ge3A_168 : vector<16xi32>
    %lt3A_170 = arith.constant 1000 : i32
    %lt3A_171 = vector.broadcast %lt3A_170 : i32 to vector<16xi32>
    %lt3A_172 = arith.cmpi slt, %get3A_166, %lt3A_171 : vector<16xi32>
    %and3A_173 = arith.andi %ge3A_169, %lt3A_172 : vector<16xi1>
    %add3A_174 = arith.constant 1 : i32
    %add3A_175 = vector.broadcast %add3A_174 : i32 to vector<16xi32>
    %add3A_176 = arith.addi %get3A_166, %add3A_175 : vector<16xi32>
    %jit3A_177 = arith.constant 0 : i32
    %broadcast_in_dim3A_178 = vector.broadcast %jit3A_177 : i32 to vector<16xi32>
    %select_n3A_179 = arith.select %and3A_173, %add3A_176, %broadcast_in_dim3A_178 : vector<16xi1>, vector<16xi32>
    %swap3A_180 = arith.constant 160 : index
    %swap3A_181 = tpu.vector_load %arg6[%swap3A_180] {strides = array<i32>} : memref<512xi32, #tpu.memory_space<vmem>>, vector<16xi32>,
    tpu.vector_store %arg6[%swap3A_180], %select_n3A_179 {strides = array<i32>} : memref<512xi32, #tpu.memory_space<vmem>>, vector<16xi32>,
    %get3A_182 = arith.constant 176 : index
    %get3A_183 = tpu.vector_load %arg6[%get3A_182] {strides = array<i32>} : memref<512xi32, #tpu.memory_space<vmem>>, vector<16xi32>,
    %ge3A_184 = arith.constant 0 : i32
    %ge3A_185 = vector.broadcast %ge3A_184 : i32 to vector<16xi32>
    %ge3A_186 = arith.cmpi sge, %get3A_183, %ge3A_185 : vector<16xi32>
    %lt3A_187 = arith.constant 1000 : i32
    %lt3A_188 = vector.broadcast %lt3A_187 : i32 to vector<16xi32>
    %lt3A_189 = arith.cmpi slt, %get3A_183, %lt3A_188 : vector<16xi32>
    %and3A_190 = arith.andi %ge3A_186, %lt3A_189 : vector<16xi1>
    %add3A_191 = arith.constant 1 : i32
    %add3A_192 = vector.broadcast %add3A_191 : i32 to vector<16xi32>
    %add3A_193 = arith.addi %get3A_183, %add3A_192 : vector<16xi32>
    %jit3A_194 = arith.constant 0 : i32
    %broadcast_in_dim3A_195 = vector.broadcast %jit3A_194 : i32 to vector<16xi32>
    %select_n3A_196 = arith.select %and3A_190, %add3A_193, %broadcast_in_dim3A_195 : vector<16xi1>, vector<16xi32>
    %swap3A_197 = arith.constant 176 : index
    %swap3A_198 = tpu.vector_load %arg6[%swap3A_197] {strides = array<i32>} : memref<512xi32, #tpu.memory_space<vmem>>, vector<16xi32>,
    tpu.vector_store %arg6[%swap3A_197], %select_n3A_196 {strides = array<i32>} : memref<512xi32, #tpu.memory_space<vmem>>, vector<16xi32>,
    %get3A_199 = arith.constant 192 : index
    %get3A_200 = tpu.vector_load %arg6[%get3A_199] {strides = array<i32>} : memref<512xi32, #tpu.memory_space<vmem>>, vector<16xi32>,
    %ge3A_201 = arith.constant 0 : i32
    %ge3A_202 = vector.broadcast %ge3A_201 : i32 to vector<16xi32>
    %ge3A_203 = arith.cmpi sge, %get3A_200, %ge3A_202 : vector<16xi32>
    %lt3A_204 = arith.constant 1000 : i32
    %lt3A_205 = vector.broadcast %lt3A_204 : i32 to vector<16xi32>
    %lt3A_206 = arith.cmpi slt, %get3A_200, %lt3A_205 : vector<16xi32>
    %and3A_207 = arith.andi %ge3A_203, %lt3A_206 : vector<16xi1>
    %add3A_208 = arith.constant 1 : i32
    %add3A_209 = vector.broadcast %add3A_208 : i32 to vector<16xi32>
    %add3A_210 = arith.addi %get3A_200, %add3A_209 : vector<16xi32>
    %jit3A_211 = arith.constant 0 : i32
    %broadcast_in_dim3A_212 = vector.broadcast %jit3A_211 : i32 to vector<16xi32>
    %select_n3A_213 = arith.select %and3A_207, %add3A_210, %broadcast_in_dim3A_212 : vector<16xi1>, vector<16xi32>
    %swap3A_214 = arith.constant 192 : index
    %swap3A_215 = tpu.vector_load %arg6[%swap3A_214] {strides = array<i32>} : memref<512xi32, #tpu.memory_space<vmem>>, vector<16xi32>,
    tpu.vector_store %arg6[%swap3A_214], %select_n3A_213 {strides = array<i32>} : memref<512xi32, #tpu.memory_space<vmem>>, vector<16xi32>,
    %get3A_216 = arith.constant 208 : index
    %get3A_217 = tpu.vector_load %arg6[%get3A_216] {strides = array<i32>} : memref<512xi32, #tpu.memory_space<vmem>>, vector<16xi32>,
    %ge3A_218 = arith.constant 0 : i32
    %ge3A_219 = vector.broadcast %ge3A_218 : i32 to vector<16xi32>
    %ge3A_220 = arith.cmpi sge, %get3A_217, %ge3A_219 : vector<16xi32>
    %lt3A_221 = arith.constant 1000 : i32
    %lt3A_222 = vector.broadcast %lt3A_221 : i32 to vector<16xi32>
    %lt3A_223 = arith.cmpi slt, %get3A_217, %lt3A_222 : vector<16xi32>
    %and3A_224 = arith.andi %ge3A_220, %lt3A_223 : vector<16xi1>
    %add3A_225 = arith.constant 1 : i32
    %add3A_226 = vector.broadcast %add3A_225 : i32 to vector<16xi32>
    %add3A_227 = arith.addi %get3A_217, %add3A_226 : vector<16xi32>
    %jit3A_228 = arith.constant 0 : i32
    %broadcast_in_dim3A_229 = vector.broadcast %jit3A_228 : i32 to vector<16xi32>
    %select_n3A_230 = arith.select %and3A_224, %add3A_227, %broadcast_in_dim3A_229 : vector<16xi1>, vector<16xi32>
    %swap3A_231 = arith.constant 208 : index
    %swap3A_232 = tpu.vector_load %arg6[%swap3A_231] {strides = array<i32>} : memref<512xi32, #tpu.memory_space<vmem>>, vector<16xi32>,
    tpu.vector_store %arg6[%swap3A_231], %select_n3A_230 {strides = array<i32>} : memref<512xi32, #tpu.memory_space<vmem>>, vector<16xi32>,
    %get3A_233 = arith.constant 224 : index
    %get3A_234 = tpu.vector_load %arg6[%get3A_233] {strides = array<i32>} : memref<512xi32, #tpu.memory_space<vmem>>, vector<16xi32>,
    %ge3A_235 = arith.constant 0 : i32
    %ge3A_236 = vector.broadcast %ge3A_235 : i32 to vector<16xi32>
    %ge3A_237 = arith.cmpi sge, %get3A_234, %ge3A_236 : vector<16xi32>
    %lt3A_238 = arith.constant 1000 : i32
    %lt3A_239 = vector.broadcast %lt3A_238 : i32 to vector<16xi32>
    %lt3A_240 = arith.cmpi slt, %get3A_234, %lt3A_239 : vector<16xi32>
    %and3A_241 = arith.andi %ge3A_237, %lt3A_240 : vector<16xi1>
    %add3A_242 = arith.constant 1 : i32
    %add3A_243 = vector.broadcast %add3A_242 : i32 to vector<16xi32>
    %add3A_244 = arith.addi %get3A_234, %add3A_243 : vector<16xi32>
    %jit3A_245 = arith.constant 0 : i32
    %broadcast_in_dim3A_246 = vector.broadcast %jit3A_245 : i32 to vector<16xi32>
    %select_n3A_247 = arith.select %and3A_241, %add3A_244, %broadcast_in_dim3A_246 : vector<16xi1>, vector<16xi32>
    %swap3A_248 = arith.constant 224 : index
    %swap3A_249 = tpu.vector_load %arg6[%swap3A_248] {strides = array<i32>} : memref<512xi32, #tpu.memory_space<vmem>>, vector<16xi32>,
    tpu.vector_store %arg6[%swap3A_248], %select_n3A_247 {strides = array<i32>} : memref<512xi32, #tpu.memory_space<vmem>>, vector<16xi32>,
    %get3A_250 = arith.constant 240 : index
    %get3A_251 = tpu.vector_load %arg6[%get3A_250] {strides = array<i32>} : memref<512xi32, #tpu.memory_space<vmem>>, vector<16xi32>,
    %ge3A_252 = arith.constant 0 : i32
    %ge3A_253 = vector.broadcast %ge3A_252 : i32 to vector<16xi32>
    %ge3A_254 = arith.cmpi sge, %get3A_251, %ge3A_253 : vector<16xi32>
    %lt3A_255 = arith.constant 1000 : i32
    %lt3A_256 = vector.broadcast %lt3A_255 : i32 to vector<16xi32>
    %lt3A_257 = arith.cmpi slt, %get3A_251, %lt3A_256 : vector<16xi32>
    %and3A_258 = arith.andi %ge3A_254, %lt3A_257 : vector<16xi1>
    %add3A_259 = arith.constant 1 : i32
    %add3A_260 = vector.broadcast %add3A_259 : i32 to vector<16xi32>
    %add3A_261 = arith.addi %get3A_251, %add3A_260 : vector<16xi32>
    %jit3A_262 = arith.constant 0 : i32
    %broadcast_in_dim3A_263 = vector.broadcast %jit3A_262 : i32 to vector<16xi32>
    %select_n3A_264 = arith.select %and3A_258, %add3A_261, %broadcast_in_dim3A_263 : vector<16xi1>, vector<16xi32>
    %swap3A_265 = arith.constant 240 : index
    %swap3A_266 = tpu.vector_load %arg6[%swap3A_265] {strides = array<i32>} : memref<512xi32, #tpu.memory_space<vmem>>, vector<16xi32>,
    tpu.vector_store %arg6[%swap3A_265], %select_n3A_264 {strides = array<i32>} : memref<512xi32, #tpu.memory_space<vmem>>, vector<16xi32>,
    %get3A_267 = arith.constant 256 : index
    %get3A_268 = tpu.vector_load %arg6[%get3A_267] {strides = array<i32>} : memref<512xi32, #tpu.memory_space<vmem>>, vector<16xi32>,
    %ge3A_269 = arith.constant 0 : i32
    %ge3A_270 = vector.broadcast %ge3A_269 : i32 to vector<16xi32>
    %ge3A_271 = arith.cmpi sge, %get3A_268, %ge3A_270 : vector<16xi32>
    %lt3A_272 = arith.constant 1000 : i32
    %lt3A_273 = vector.broadcast %lt3A_272 : i32 to vector<16xi32>
    %lt3A_274 = arith.cmpi slt, %get3A_268, %lt3A_273 : vector<16xi32>
    %and3A_275 = arith.andi %ge3A_271, %lt3A_274 : vector<16xi1>
    %add3A_276 = arith.constant 1 : i32
    %add3A_277 = vector.broadcast %add3A_276 : i32 to vector<16xi32>
    %add3A_278 = arith.addi %get3A_268, %add3A_277 : vector<16xi32>
    %jit3A_279 = arith.constant 0 : i32
    %broadcast_in_dim3A_280 = vector.broadcast %jit3A_279 : i32 to vector<16xi32>
    %select_n3A_281 = arith.select %and3A_275, %add3A_278, %broadcast_in_dim3A_280 : vector<16xi1>, vector<16xi32>
    %swap3A_282 = arith.constant 256 : index
    %swap3A_283 = tpu.vector_load %arg6[%swap3A_282] {strides = array<i32>} : memref<512xi32, #tpu.memory_space<vmem>>, vector<16xi32>,
    tpu.vector_store %arg6[%swap3A_282], %select_n3A_281 {strides = array<i32>} : memref<512xi32, #tpu.memory_space<vmem>>, vector<16xi32>,
    %get3A_284 = arith.constant 272 : index
    %get3A_285 = tpu.vector_load %arg6[%get3A_284] {strides = array<i32>} : memref<512xi32, #tpu.memory_space<vmem>>, vector<16xi32>,
    %ge3A_286 = arith.constant 0 : i32
    %ge3A_287 = vector.broadcast %ge3A_286 : i32 to vector<16xi32>
    %ge3A_288 = arith.cmpi sge, %get3A_285, %ge3A_287 : vector<16xi32>
    %lt3A_289 = arith.constant 1000 : i32
    %lt3A_290 = vector.broadcast %lt3A_289 : i32 to vector<16xi32>
    %lt3A_291 = arith.cmpi slt, %get3A_285, %lt3A_290 : vector<16xi32>
    %and3A_292 = arith.andi %ge3A_288, %lt3A_291 : vector<16xi1>
    %add3A_293 = arith.constant 1 : i32
    %add3A_294 = vector.broadcast %add3A_293 : i32 to vector<16xi32>
    %add3A_295 = arith.addi %get3A_285, %add3A_294 : vector<16xi32>
    %jit3A_296 = arith.constant 0 : i32
    %broadcast_in_dim3A_297 = vector.broadcast %jit3A_296 : i32 to vector<16xi32>
    %select_n3A_298 = arith.select %and3A_292, %add3A_295, %broadcast_in_dim3A_297 : vector<16xi1>, vector<16xi32>
    %swap3A_299 = arith.constant 272 : index
    %swap3A_300 = tpu.vector_load %arg6[%swap3A_299] {strides = array<i32>} : memref<512xi32, #tpu.memory_space<vmem>>, vector<16xi32>,
    tpu.vector_store %arg6[%swap3A_299], %select_n3A_298 {strides = array<i32>} : memref<512xi32, #tpu.memory_space<vmem>>, vector<16xi32>,
    %get3A_301 = arith.constant 288 : index
    %get3A_302 = tpu.vector_load %arg6[%get3A_301] {strides = array<i32>} : memref<512xi32, #tpu.memory_space<vmem>>, vector<16xi32>,
    %ge3A_303 = arith.constant 0 : i32
    %ge3A_304 = vector.broadcast %ge3A_303 : i32 to vector<16xi32>
    %ge3A_305 = arith.cmpi sge, %get3A_302, %ge3A_304 : vector<16xi32>
    %lt3A_306 = arith.constant 1000 : i32
    %lt3A_307 = vector.broadcast %lt3A_306 : i32 to vector<16xi32>
    %lt3A_308 = arith.cmpi slt, %get3A_302, %lt3A_307 : vector<16xi32>
    %and3A_309 = arith.andi %ge3A_305, %lt3A_308 : vector<16xi1>
    %add3A_310 = arith.constant 1 : i32
    %add3A_311 = vector.broadcast %add3A_310 : i32 to vector<16xi32>
    %add3A_312 = arith.addi %get3A_302, %add3A_311 : vector<16xi32>
    %jit3A_313 = arith.constant 0 : i32
    %broadcast_in_dim3A_314 = vector.broadcast %jit3A_313 : i32 to vector<16xi32>
    %select_n3A_315 = arith.select %and3A_309, %add3A_312, %broadcast_in_dim3A_314 : vector<16xi1>, vector<16xi32>
    %swap3A_316 = arith.constant 288 : index
    %swap3A_317 = tpu.vector_load %arg6[%swap3A_316] {strides = array<i32>} : memref<512xi32, #tpu.memory_space<vmem>>, vector<16xi32>,
    tpu.vector_store %arg6[%swap3A_316], %select_n3A_315 {strides = array<i32>} : memref<512xi32, #tpu.memory_space<vmem>>, vector<16xi32>,
    %get3A_318 = arith.constant 304 : index
    %get3A_319 = tpu.vector_load %arg6[%get3A_318] {strides = array<i32>} : memref<512xi32, #tpu.memory_space<vmem>>, vector<16xi32>,
    %ge3A_320 = arith.constant 0 : i32
    %ge3A_321 = vector.broadcast %ge3A_320 : i32 to vector<16xi32>
    %ge3A_322 = arith.cmpi sge, %get3A_319, %ge3A_321 : vector<16xi32>
    %lt3A_323 = arith.constant 1000 : i32
    %lt3A_324 = vector.broadcast %lt3A_323 : i32 to vector<16xi32>
    %lt3A_325 = arith.cmpi slt, %get3A_319, %lt3A_324 : vector<16xi32>
    %and3A_326 = arith.andi %ge3A_322, %lt3A_325 : vector<16xi1>
    %add3A_327 = arith.constant 1 : i32
    %add3A_328 = vector.broadcast %add3A_327 : i32 to vector<16xi32>
    %add3A_329 = arith.addi %get3A_319, %add3A_328 : vector<16xi32>
    %jit3A_330 = arith.constant 0 : i32
    %broadcast_in_dim3A_331 = vector.broadcast %jit3A_330 : i32 to vector<16xi32>
    %select_n3A_332 = arith.select %and3A_326, %add3A_329, %broadcast_in_dim3A_331 : vector<16xi1>, vector<16xi32>
    %swap3A_333 = arith.constant 304 : index
    %swap3A_334 = tpu.vector_load %arg6[%swap3A_333] {strides = array<i32>} : memref<512xi32, #tpu.memory_space<vmem>>, vector<16xi32>,
    tpu.vector_store %arg6[%swap3A_333], %select_n3A_332 {strides = array<i32>} : memref<512xi32, #tpu.memory_space<vmem>>, vector<16xi32>,
    %get3A_335 = arith.constant 320 : index
    %get3A_336 = tpu.vector_load %arg6[%get3A_335] {strides = array<i32>} : memref<512xi32, #tpu.memory_space<vmem>>, vector<16xi32>,
    %ge3A_337 = arith.constant 0 : i32
    %ge3A_338 = vector.broadcast %ge3A_337 : i32 to vector<16xi32>
    %ge3A_339 = arith.cmpi sge, %get3A_336, %ge3A_338 : vector<16xi32>
    %lt3A_340 = arith.constant 1000 : i32
    %lt3A_341 = vector.broadcast %lt3A_340 : i32 to vector<16xi32>
    %lt3A_342 = arith.cmpi slt, %get3A_336, %lt3A_341 : vector<16xi32>
    %and3A_343 = arith.andi %ge3A_339, %lt3A_342 : vector<16xi1>
    %add3A_344 = arith.constant 1 : i32
    %add3A_345 = vector.broadcast %add3A_344 : i32 to vector<16xi32>
    %add3A_346 = arith.addi %get3A_336, %add3A_345 : vector<16xi32>
    %jit3A_347 = arith.constant 0 : i32
    %broadcast_in_dim3A_348 = vector.broadcast %jit3A_347 : i32 to vector<16xi32>
    %select_n3A_349 = arith.select %and3A_343, %add3A_346, %broadcast_in_dim3A_348 : vector<16xi1>, vector<16xi32>
    %swap3A_350 = arith.constant 320 : index
    %swap3A_351 = tpu.vector_load %arg6[%swap3A_350] {strides = array<i32>} : memref<512xi32, #tpu.memory_space<vmem>>, vector<16xi32>,
    tpu.vector_store %arg6[%swap3A_350], %select_n3A_349 {strides = array<i32>} : memref<512xi32, #tpu.memory_space<vmem>>, vector<16xi32>,
    %get3A_352 = arith.constant 336 : index
    %get3A_353 = tpu.vector_load %arg6[%get3A_352] {strides = array<i32>} : memref<512xi32, #tpu.memory_space<vmem>>, vector<16xi32>,
    %ge3A_354 = arith.constant 0 : i32
    %ge3A_355 = vector.broadcast %ge3A_354 : i32 to vector<16xi32>
    %ge3A_356 = arith.cmpi sge, %get3A_353, %ge3A_355 : vector<16xi32>
    %lt3A_357 = arith.constant 1000 : i32
    %lt3A_358 = vector.broadcast %lt3A_357 : i32 to vector<16xi32>
    %lt3A_359 = arith.cmpi slt, %get3A_353, %lt3A_358 : vector<16xi32>
    %and3A_360 = arith.andi %ge3A_356, %lt3A_359 : vector<16xi1>
    %add3A_361 = arith.constant 1 : i32
    %add3A_362 = vector.broadcast %add3A_361 : i32 to vector<16xi32>
    %add3A_363 = arith.addi %get3A_353, %add3A_362 : vector<16xi32>
    %jit3A_364 = arith.constant 0 : i32
    %broadcast_in_dim3A_365 = vector.broadcast %jit3A_364 : i32 to vector<16xi32>
    %select_n3A_366 = arith.select %and3A_360, %add3A_363, %broadcast_in_dim3A_365 : vector<16xi1>, vector<16xi32>
    %swap3A_367 = arith.constant 336 : index
    %swap3A_368 = tpu.vector_load %arg6[%swap3A_367] {strides = array<i32>} : memref<512xi32, #tpu.memory_space<vmem>>, vector<16xi32>,
    tpu.vector_store %arg6[%swap3A_367], %select_n3A_366 {strides = array<i32>} : memref<512xi32, #tpu.memory_space<vmem>>, vector<16xi32>,
    %get3A_369 = arith.constant 352 : index
    %get3A_370 = tpu.vector_load %arg6[%get3A_369] {strides = array<i32>} : memref<512xi32, #tpu.memory_space<vmem>>, vector<16xi32>,
    %ge3A_371 = arith.constant 0 : i32
    %ge3A_372 = vector.broadcast %ge3A_371 : i32 to vector<16xi32>
    %ge3A_373 = arith.cmpi sge, %get3A_370, %ge3A_372 : vector<16xi32>
    %lt3A_374 = arith.constant 1000 : i32
    %lt3A_375 = vector.broadcast %lt3A_374 : i32 to vector<16xi32>
    %lt3A_376 = arith.cmpi slt, %get3A_370, %lt3A_375 : vector<16xi32>
    %and3A_377 = arith.andi %ge3A_373, %lt3A_376 : vector<16xi1>
    %add3A_378 = arith.constant 1 : i32
    %add3A_379 = vector.broadcast %add3A_378 : i32 to vector<16xi32>
    %add3A_380 = arith.addi %get3A_370, %add3A_379 : vector<16xi32>
    %jit3A_381 = arith.constant 0 : i32
    %broadcast_in_dim3A_382 = vector.broadcast %jit3A_381 : i32 to vector<16xi32>
    %select_n3A_383 = arith.select %and3A_377, %add3A_380, %broadcast_in_dim3A_382 : vector<16xi1>, vector<16xi32>
    %swap3A_384 = arith.constant 352 : index
    %swap3A_385 = tpu.vector_load %arg6[%swap3A_384] {strides = array<i32>} : memref<512xi32, #tpu.memory_space<vmem>>, vector<16xi32>,
    tpu.vector_store %arg6[%swap3A_384], %select_n3A_383 {strides = array<i32>} : memref<512xi32, #tpu.memory_space<vmem>>, vector<16xi32>,
    %get3A_386 = arith.constant 368 : index
    %get3A_387 = tpu.vector_load %arg6[%get3A_386] {strides = array<i32>} : memref<512xi32, #tpu.memory_space<vmem>>, vector<16xi32>,
    %ge3A_388 = arith.constant 0 : i32
    %ge3A_389 = vector.broadcast %ge3A_388 : i32 to vector<16xi32>
    %ge3A_390 = arith.cmpi sge, %get3A_387, %ge3A_389 : vector<16xi32>
    %lt3A_391 = arith.constant 1000 : i32
    %lt3A_392 = vector.broadcast %lt3A_391 : i32 to vector<16xi32>
    %lt3A_393 = arith.cmpi slt, %get3A_387, %lt3A_392 : vector<16xi32>
    %and3A_394 = arith.andi %ge3A_390, %lt3A_393 : vector<16xi1>
    %add3A_395 = arith.constant 1 : i32
    %add3A_396 = vector.broadcast %add3A_395 : i32 to vector<16xi32>
    %add3A_397 = arith.addi %get3A_387, %add3A_396 : vector<16xi32>
    %jit3A_398 = arith.constant 0 : i32
    %broadcast_in_dim3A_399 = vector.broadcast %jit3A_398 : i32 to vector<16xi32>
    %select_n3A_400 = arith.select %and3A_394, %add3A_397, %broadcast_in_dim3A_399 : vector<16xi1>, vector<16xi32>
    %swap3A_401 = arith.constant 368 : index
    %swap3A_402 = tpu.vector_load %arg6[%swap3A_401] {strides = array<i32>} : memref<512xi32, #tpu.memory_space<vmem>>, vector<16xi32>,
    tpu.vector_store %arg6[%swap3A_401], %select_n3A_400 {strides = array<i32>} : memref<512xi32, #tpu.memory_space<vmem>>, vector<16xi32>,
    %get3A_403 = arith.constant 384 : index
    %get3A_404 = tpu.vector_load %arg6[%get3A_403] {strides = array<i32>} : memref<512xi32, #tpu.memory_space<vmem>>, vector<16xi32>,
    %ge3A_405 = arith.constant 0 : i32
    %ge3A_406 = vector.broadcast %ge3A_405 : i32 to vector<16xi32>
    %ge3A_407 = arith.cmpi sge, %get3A_404, %ge3A_406 : vector<16xi32>
    %lt3A_408 = arith.constant 1000 : i32
    %lt3A_409 = vector.broadcast %lt3A_408 : i32 to vector<16xi32>
    %lt3A_410 = arith.cmpi slt, %get3A_404, %lt3A_409 : vector<16xi32>
    %and3A_411 = arith.andi %ge3A_407, %lt3A_410 : vector<16xi1>
    %add3A_412 = arith.constant 1 : i32
    %add3A_413 = vector.broadcast %add3A_412 : i32 to vector<16xi32>
    %add3A_414 = arith.addi %get3A_404, %add3A_413 : vector<16xi32>
    %jit3A_415 = arith.constant 0 : i32
    %broadcast_in_dim3A_416 = vector.broadcast %jit3A_415 : i32 to vector<16xi32>
    %select_n3A_417 = arith.select %and3A_411, %add3A_414, %broadcast_in_dim3A_416 : vector<16xi1>, vector<16xi32>
    %swap3A_418 = arith.constant 384 : index
    %swap3A_419 = tpu.vector_load %arg6[%swap3A_418] {strides = array<i32>} : memref<512xi32, #tpu.memory_space<vmem>>, vector<16xi32>,
    tpu.vector_store %arg6[%swap3A_418], %select_n3A_417 {strides = array<i32>} : memref<512xi32, #tpu.memory_space<vmem>>, vector<16xi32>,
    %get3A_420 = arith.constant 400 : index
    %get3A_421 = tpu.vector_load %arg6[%get3A_420] {strides = array<i32>} : memref<512xi32, #tpu.memory_space<vmem>>, vector<16xi32>,
    %ge3A_422 = arith.constant 0 : i32
    %ge3A_423 = vector.broadcast %ge3A_422 : i32 to vector<16xi32>
    %ge3A_424 = arith.cmpi sge, %get3A_421, %ge3A_423 : vector<16xi32>
    %lt3A_425 = arith.constant 1000 : i32
    %lt3A_426 = vector.broadcast %lt3A_425 : i32 to vector<16xi32>
    %lt3A_427 = arith.cmpi slt, %get3A_421, %lt3A_426 : vector<16xi32>
    %and3A_428 = arith.andi %ge3A_424, %lt3A_427 : vector<16xi1>
    %add3A_429 = arith.constant 1 : i32
    %add3A_430 = vector.broadcast %add3A_429 : i32 to vector<16xi32>
    %add3A_431 = arith.addi %get3A_421, %add3A_430 : vector<16xi32>
    %jit3A_432 = arith.constant 0 : i32
    %broadcast_in_dim3A_433 = vector.broadcast %jit3A_432 : i32 to vector<16xi32>
    %select_n3A_434 = arith.select %and3A_428, %add3A_431, %broadcast_in_dim3A_433 : vector<16xi1>, vector<16xi32>
    %swap3A_435 = arith.constant 400 : index
    %swap3A_436 = tpu.vector_load %arg6[%swap3A_435] {strides = array<i32>} : memref<512xi32, #tpu.memory_space<vmem>>, vector<16xi32>,
    tpu.vector_store %arg6[%swap3A_435], %select_n3A_434 {strides = array<i32>} : memref<512xi32, #tpu.memory_space<vmem>>, vector<16xi32>,
    %get3A_437 = arith.constant 416 : index
    %get3A_438 = tpu.vector_load %arg6[%get3A_437] {strides = array<i32>} : memref<512xi32, #tpu.memory_space<vmem>>, vector<16xi32>,
    %ge3A_439 = arith.constant 0 : i32
    %ge3A_440 = vector.broadcast %ge3A_439 : i32 to vector<16xi32>
    %ge3A_441 = arith.cmpi sge, %get3A_438, %ge3A_440 : vector<16xi32>
    %lt3A_442 = arith.constant 1000 : i32
    %lt3A_443 = vector.broadcast %lt3A_442 : i32 to vector<16xi32>
    %lt3A_444 = arith.cmpi slt, %get3A_438, %lt3A_443 : vector<16xi32>
    %and3A_445 = arith.andi %ge3A_441, %lt3A_444 : vector<16xi1>
    %add3A_446 = arith.constant 1 : i32
    %add3A_447 = vector.broadcast %add3A_446 : i32 to vector<16xi32>
    %add3A_448 = arith.addi %get3A_438, %add3A_447 : vector<16xi32>
    %jit3A_449 = arith.constant 0 : i32
    %broadcast_in_dim3A_450 = vector.broadcast %jit3A_449 : i32 to vector<16xi32>
    %select_n3A_451 = arith.select %and3A_445, %add3A_448, %broadcast_in_dim3A_450 : vector<16xi1>, vector<16xi32>
    %swap3A_452 = arith.constant 416 : index
    %swap3A_453 = tpu.vector_load %arg6[%swap3A_452] {strides = array<i32>} : memref<512xi32, #tpu.memory_space<vmem>>, vector<16xi32>,
    tpu.vector_store %arg6[%swap3A_452], %select_n3A_451 {strides = array<i32>} : memref<512xi32, #tpu.memory_space<vmem>>, vector<16xi32>,
    %get3A_454 = arith.constant 432 : index
    %get3A_455 = tpu.vector_load %arg6[%get3A_454] {strides = array<i32>} : memref<512xi32, #tpu.memory_space<vmem>>, vector<16xi32>,
    %ge3A_456 = arith.constant 0 : i32
    %ge3A_457 = vector.broadcast %ge3A_456 : i32 to vector<16xi32>
    %ge3A_458 = arith.cmpi sge, %get3A_455, %ge3A_457 : vector<16xi32>
    %lt3A_459 = arith.constant 1000 : i32
    %lt3A_460 = vector.broadcast %lt3A_459 : i32 to vector<16xi32>
    %lt3A_461 = arith.cmpi slt, %get3A_455, %lt3A_460 : vector<16xi32>
    %and3A_462 = arith.andi %ge3A_458, %lt3A_461 : vector<16xi1>
    %add3A_463 = arith.constant 1 : i32
    %add3A_464 = vector.broadcast %add3A_463 : i32 to vector<16xi32>
    %add3A_465 = arith.addi %get3A_455, %add3A_464 : vector<16xi32>
    %jit3A_466 = arith.constant 0 : i32
    %broadcast_in_dim3A_467 = vector.broadcast %jit3A_466 : i32 to vector<16xi32>
    %select_n3A_468 = arith.select %and3A_462, %add3A_465, %broadcast_in_dim3A_467 : vector<16xi1>, vector<16xi32>
    %swap3A_469 = arith.constant 432 : index
    %swap3A_470 = tpu.vector_load %arg6[%swap3A_469] {strides = array<i32>} : memref<512xi32, #tpu.memory_space<vmem>>, vector<16xi32>,
    tpu.vector_store %arg6[%swap3A_469], %select_n3A_468 {strides = array<i32>} : memref<512xi32, #tpu.memory_space<vmem>>, vector<16xi32>,
    %get3A_471 = arith.constant 448 : index
    %get3A_472 = tpu.vector_load %arg6[%get3A_471] {strides = array<i32>} : memref<512xi32, #tpu.memory_space<vmem>>, vector<16xi32>,
    %ge3A_473 = arith.constant 0 : i32
    %ge3A_474 = vector.broadcast %ge3A_473 : i32 to vector<16xi32>
    %ge3A_475 = arith.cmpi sge, %get3A_472, %ge3A_474 : vector<16xi32>
    %lt3A_476 = arith.constant 1000 : i32
    %lt3A_477 = vector.broadcast %lt3A_476 : i32 to vector<16xi32>
    %lt3A_478 = arith.cmpi slt, %get3A_472, %lt3A_477 : vector<16xi32>
    %and3A_479 = arith.andi %ge3A_475, %lt3A_478 : vector<16xi1>
    %add3A_480 = arith.constant 1 : i32
    %add3A_481 = vector.broadcast %add3A_480 : i32 to vector<16xi32>
    %add3A_482 = arith.addi %get3A_472, %add3A_481 : vector<16xi32>
    %jit3A_483 = arith.constant 0 : i32
    %broadcast_in_dim3A_484 = vector.broadcast %jit3A_483 : i32 to vector<16xi32>
    %select_n3A_485 = arith.select %and3A_479, %add3A_482, %broadcast_in_dim3A_484 : vector<16xi1>, vector<16xi32>
    %swap3A_486 = arith.constant 448 : index
    %swap3A_487 = tpu.vector_load %arg6[%swap3A_486] {strides = array<i32>} : memref<512xi32, #tpu.memory_space<vmem>>, vector<16xi32>,
    tpu.vector_store %arg6[%swap3A_486], %select_n3A_485 {strides = array<i32>} : memref<512xi32, #tpu.memory_space<vmem>>, vector<16xi32>,
    %get3A_488 = arith.constant 464 : index
    %get3A_489 = tpu.vector_load %arg6[%get3A_488] {strides = array<i32>} : memref<512xi32, #tpu.memory_space<vmem>>, vector<16xi32>,
    %ge3A_490 = arith.constant 0 : i32
    %ge3A_491 = vector.broadcast %ge3A_490 : i32 to vector<16xi32>
    %ge3A_492 = arith.cmpi sge, %get3A_489, %ge3A_491 : vector<16xi32>
    %lt3A_493 = arith.constant 1000 : i32
    %lt3A_494 = vector.broadcast %lt3A_493 : i32 to vector<16xi32>
    %lt3A_495 = arith.cmpi slt, %get3A_489, %lt3A_494 : vector<16xi32>
    %and3A_496 = arith.andi %ge3A_492, %lt3A_495 : vector<16xi1>
    %add3A_497 = arith.constant 1 : i32
    %add3A_498 = vector.broadcast %add3A_497 : i32 to vector<16xi32>
    %add3A_499 = arith.addi %get3A_489, %add3A_498 : vector<16xi32>
    %jit3A_500 = arith.constant 0 : i32
    %broadcast_in_dim3A_501 = vector.broadcast %jit3A_500 : i32 to vector<16xi32>
    %select_n3A_502 = arith.select %and3A_496, %add3A_499, %broadcast_in_dim3A_501 : vector<16xi1>, vector<16xi32>
    %swap3A_503 = arith.constant 464 : index
    %swap3A_504 = tpu.vector_load %arg6[%swap3A_503] {strides = array<i32>} : memref<512xi32, #tpu.memory_space<vmem>>, vector<16xi32>,
    tpu.vector_store %arg6[%swap3A_503], %select_n3A_502 {strides = array<i32>} : memref<512xi32, #tpu.memory_space<vmem>>, vector<16xi32>,
    %get3A_505 = arith.constant 480 : index
    %get3A_506 = tpu.vector_load %arg6[%get3A_505] {strides = array<i32>} : memref<512xi32, #tpu.memory_space<vmem>>, vector<16xi32>,
    %ge3A_507 = arith.constant 0 : i32
    %ge3A_508 = vector.broadcast %ge3A_507 : i32 to vector<16xi32>
    %ge3A_509 = arith.cmpi sge, %get3A_506, %ge3A_508 : vector<16xi32>
    %lt3A_510 = arith.constant 1000 : i32
    %lt3A_511 = vector.broadcast %lt3A_510 : i32 to vector<16xi32>
    %lt3A_512 = arith.cmpi slt, %get3A_506, %lt3A_511 : vector<16xi32>
    %and3A_513 = arith.andi %ge3A_509, %lt3A_512 : vector<16xi1>
    %add3A_514 = arith.constant 1 : i32
    %add3A_515 = vector.broadcast %add3A_514 : i32 to vector<16xi32>
    %add3A_516 = arith.addi %get3A_506, %add3A_515 : vector<16xi32>
    %jit3A_517 = arith.constant 0 : i32
    %broadcast_in_dim3A_518 = vector.broadcast %jit3A_517 : i32 to vector<16xi32>
    %select_n3A_519 = arith.select %and3A_513, %add3A_516, %broadcast_in_dim3A_518 : vector<16xi1>, vector<16xi32>
    %swap3A_520 = arith.constant 480 : index
    %swap3A_521 = tpu.vector_load %arg6[%swap3A_520] {strides = array<i32>} : memref<512xi32, #tpu.memory_space<vmem>>, vector<16xi32>,
    tpu.vector_store %arg6[%swap3A_520], %select_n3A_519 {strides = array<i32>} : memref<512xi32, #tpu.memory_space<vmem>>, vector<16xi32>,
    %get3A_522 = arith.constant 496 : index
    %get3A_523 = tpu.vector_load %arg6[%get3A_522] {strides = array<i32>} : memref<512xi32, #tpu.memory_space<vmem>>, vector<16xi32>,
    %ge3A_524 = arith.constant 0 : i32
    %ge3A_525 = vector.broadcast %ge3A_524 : i32 to vector<16xi32>
    %ge3A_526 = arith.cmpi sge, %get3A_523, %ge3A_525 : vector<16xi32>
    %lt3A_527 = arith.constant 1000 : i32
    %lt3A_528 = vector.broadcast %lt3A_527 : i32 to vector<16xi32>
    %lt3A_529 = arith.cmpi slt, %get3A_523, %lt3A_528 : vector<16xi32>
    %and3A_530 = arith.andi %ge3A_526, %lt3A_529 : vector<16xi1>
    %add3A_531 = arith.constant 1 : i32
    %add3A_532 = vector.broadcast %add3A_531 : i32 to vector<16xi32>
    %add3A_533 = arith.addi %get3A_523, %add3A_532 : vector<16xi32>
    %jit3A_534 = arith.constant 0 : i32
    %broadcast_in_dim3A_535 = vector.broadcast %jit3A_534 : i32 to vector<16xi32>
    %select_n3A_536 = arith.select %and3A_530, %add3A_533, %broadcast_in_dim3A_535 : vector<16xi1>, vector<16xi32>
    %swap3A_537 = arith.constant 496 : index
    %swap3A_538 = tpu.vector_load %arg6[%swap3A_537] {strides = array<i32>} : memref<512xi32, #tpu.memory_space<vmem>>, vector<16xi32>,
    tpu.vector_store %arg6[%swap3A_537], %select_n3A_536 {strides = array<i32>} : memref<512xi32, #tpu.memory_space<vmem>>, vector<16xi32>,
    %parallel_loop3A = arith.constant 0 : i32
    %parallel_loop3A_539 = arith.constant 512 : i32
    %parallel_loop3A_540 = arith.constant 1 : i32
    scf.for %parallel_loop3A_541 = %parallel_loop3A to %parallel_loop3A_539 step %parallel_loop3A_540  : i32 {
      %parallel_loop3A_542 = arith.constant 4 : i32
      %parallel_loop3A_543 = arith.shrsi %parallel_loop3A_541, %parallel_loop3A_542 : i32
      %parallel_loop3A_544 = arith.constant 4 : i32
      %parallel_loop3A_545 = arith.shli %parallel_loop3A_543, %parallel_loop3A_544 : i32
      %parallel_loop3A_546 = arith.index_cast %parallel_loop3A_545 : i32 to index
      %parallel_loop3A_547 = tpu.vector_load %arg6[%parallel_loop3A_546] {strides = array<i32>} : memref<512xi32, #tpu.memory_space<vmem>>, vector<16xi32>,
      %parallel_loop3A_548 = arith.constant 15 : i32
      %parallel_loop3A_549 = arith.andi %parallel_loop3A_541, %parallel_loop3A_548 : i32
      %parallel_loop3A_550 = vector.broadcast %parallel_loop3A_549 : i32 to vector<16xi32>
      %parallel_loop3A_551 = vector.shape_cast %parallel_loop3A_550 : vector<16xi32> to vector<16x1xi32>
      %parallel_loop3A_552 = vector.shape_cast %parallel_loop3A_551 : vector<16x1xi32> to vector<16xi32>
      %parallel_loop3A_553 = tpu.dynamic_gather %parallel_loop3A_547[%parallel_loop3A_552] in [0] : vector<16xi32>, vector<16xi32> -> vector<16xi32>
      %parallel_loop3A_554 = arith.constant 3 : i32
      %parallel_loop3A_555 = vector.broadcast %parallel_loop3A_554 : i32 to vector<16xi32>
      %parallel_loop3A_556 = arith.shrsi %parallel_loop3A_553, %parallel_loop3A_555 : vector<16xi32>
      %parallel_loop3A_557 = arith.constant 7 : i32
      %parallel_loop3A_558 = vector.broadcast %parallel_loop3A_557 : i32 to vector<16xi32>
      %parallel_loop3A_559 = arith.andi %parallel_loop3A_553, %parallel_loop3A_558 : vector<16xi32>
      %parallel_loop3A_560 = arith.constant 4 : i32
      %parallel_loop3A_561 = vector.broadcast %parallel_loop3A_560 : i32 to vector<16xi32>
      %parallel_loop3A_562 = arith.shli %parallel_loop3A_559, %parallel_loop3A_561 : vector<16xi32>
      %parallel_loop3A_563 = arith.addi %parallel_loop3A_562, %iota3A : vector<16xi32>
      %parallel_loop3A_564 = tpu.vector_load_idx %arg5[%parallel_loop3A_556, %parallel_loop3A_563] : memref<128x128xf32, #tpu.memory_space<vmem>>[vector<16xi32>, vector<16xi32>], vector<16xf32>,
      %parallel_loop3A_565 = arith.index_cast %parallel_loop3A_541 : i32 to index
      %parallel_loop3A_566 = arith.constant 0 : index
      %parallel_loop3A_567 = tpu.vector_load %arg7[%parallel_loop3A_565, %parallel_loop3A_566] {strides = array<i32>} : memref<512x16xf32, #tpu.memory_space<vmem>>, vector<16xf32>,
      tpu.vector_store %arg7[%parallel_loop3A_565, %parallel_loop3A_566], %parallel_loop3A_564 {strides = array<i32>} : memref<512x16xf32, #tpu.memory_space<vmem>>, vector<16xf32>,
    } {sc.loop_unroll_factor = 8 : i64, sc.parallel_access}
    "tpu.region"() ({
      %run_scoped3A = tpu.sem_alloc : memref<!tpu.dma_semaphore, #tpu.memory_space<semaphore_mem>>
      %dma_start3A = arith.constant 0 : i32
      %dma_start3A_541 = tpu.memref_slice %arg4[%mul3A_2, %dma_start3A] : memref<16384x16xf32, #tpu.memory_space<hbm>> -> memref<512x16xf32, #tpu.memory_space<hbm>>
      %dma_start3A_542 = arith.constant 0 : i32
      %dma_start3A_543 = tpu.memref_slice %arg4[%mul3A_2, %dma_start3A_542] : memref<16384x16xf32, #tpu.memory_space<hbm>> -> memref<512x16xf32, #tpu.memory_space<hbm>>
      tpu.enqueue_dma source(%arg7 : memref<512x16xf32, #tpu.memory_space<vmem>>) target(%dma_start3A_543 : memref<512x16xf32, #tpu.memory_space<hbm>>) target_semaphore(%run_scoped3A : memref<!tpu.dma_semaphore, #tpu.memory_space<semaphore_mem>>)
      %dma_wait3A = arith.constant 0 : i32
      %dma_wait3A_544 = tpu.memref_slice %arg4[%mul3A_2, %dma_wait3A] : memref<16384x16xf32, #tpu.memory_space<hbm>> -> memref<512x16xf32, #tpu.memory_space<hbm>>
      %dma_wait3A_545 = arith.constant 0 : i32
      %dma_wait3A_546 = tpu.memref_slice %arg4[%mul3A_2, %dma_wait3A_545] : memref<16384x16xf32, #tpu.memory_space<hbm>> -> memref<512x16xf32, #tpu.memory_space<hbm>>
      tpu.wait_dma2 semaphore(%run_scoped3A : memref<!tpu.dma_semaphore, #tpu.memory_space<semaphore_mem>>) src(%arg7 : memref<512x16xf32, #tpu.memory_space<vmem>>) dst(%dma_wait3A_546 : memref<512x16xf32, #tpu.memory_space<hbm>>)
      tpu.yield
    }) : () -> ()
    return
  }
}

</mosaic_0001>

<sc_bundles>
// kernel: kernel.3.cloned.1.call-start
scs
__scs_entry_jumppad:
0x0: {  	(pc) =	sbr.rel $0x88, $3  }
0x1: {  	(tag) =	ssettag $0x0;
	lr =	simm.s32 $0x1  }
0x2: {  	[smem:$0x3F9F] =	sst lr;
	_ =	strace $0xD0000000  }
0x3: {  	_ = 	snop  }
0x4: {  	_ = 	snop  }
0x5: {  	_ = 	snop  }
0x6: {  	_ = 	snop  }
0x7: {  	_ = 	snop  }
__scs_overlays_trampoline_lowered:
0x8: {  	[smem:$0x3FAE] =	sst s0  }
0x9: {  	[smem:$0x3FAF] =	sst s1  }
0xa: {  	[smem:$0x3FB0] =	sst s2  }
0xb: {  	[smem:$0x3FB1] =	sst s3  }
0xc: {  	[smem:$0x3FB2] =	sst s4  }
0xd: {  	[smem:$0x3FB3] =	sst s5  }
0xe: {  	[smem:$0x3FB4] =	sst s6  }
0xf: {  	[smem:$0x3FB5] =	sst s7  }
0x10: {  	[smem:$0x3FB6] =	sst s8  }
0x11: {  	[smem:$0x3FB7] =	sst s9;
	s0 =	simm.s32 @!p0 $0x0  }
0x12: {  	s1 =	sld [smem:$0x3F9D];
	s0 =	simm.s32 @p0 $0x1  }
0x13: {  	[smem:$0x3FB8] =	sst s0;
	s0 =	simm.s32 @!p1 $0x0  }
0x14: {  	s2 =	sld [smem:$0x3F9C];
	s0 =	simm.s32 @p1 $0x1  }
0x15: {  	[smem:$0x3FB9] =	sst s0;
	s0 =	simm.s32 @!p2 $0x0  }
0x16: {  	s3 =	sld [smem:$0x3FDB];
	s0 =	simm.s32 @p2 $0x1  }
0x17: {  	s4 =	simm.s32 $0x1BF5;
	[smem:$0x3FBB] =	sst s0  }
0x18: {  	s0 =	sld [smem:$0x3F9E];
	_ =	swait.ge [sflag:s4], $0x0  }
0x19: {  	s7 =	sld [smem:$0x3F9F]  }
0x1a: {  	s8 =	sadd.s32 $0xFFFFE003, lr  }
0x1b: {  	s9 =	sadd.s32 $0xFFFFFEF7, lr;
	s5 =	simm.s32 $0xFFFFFFFF;
	p2 =	slt.u32 s8, $0xFFFFF086  }
0x1c: {  	p1 =	slt.u32 s9, $0xF7A;
	s5 =	simm.s32 @!p2 $0x0  }
0x1d: {  	s5 =	simm.s32 @p1 $0x1;
	p0 =	seq.s32 s7, s2  }
0x1e: {  	s7 =	smul.u32 @!p0 $0xF7A, s2;
	p2 =	seq.s32 @!p0 s5, $0x0  }
0x1f: {  	s9 =	smul.u32 $0xF7A, s1;
	s8 =	simm.s32 @!p0 $0x1BF5;
	p2 =	por !p2, p0  }
0x20: {  	[sflag:s8] =	ssyncset.s32 @!p0 $0xFFFFF086;
	s6 =	sadd.s32 @!p0 s3, s7;
	s7 =	simm.s32 @!p0 $0x108  }
0x21: {  	s3 =	sadd.s32 s3, s9;
	s6 =	sadd.s32 @!p0 $0x88, s6;
	s7 =	simm.s32 @p2 $0x1082  }
0x22: {  	[simem:s7], [sflag:s8] =	dma.local @!p0 [hbm:s6], $0xF7A  }
0x23: {  	s9 =	sor.u32 $0xD0000000, s2;
	s6 =	simm.s32 $0x108;
	_ =	swait.ge @!p0 [sflag:s8], $0x0  }
0x24: {  	s3 =	sadd.s32 $0x88, s3;
	s6 =	simm.s32 @!p1 $0x1082;
	[sflag:s4] =	ssyncset.s32 $0xFFFFF086  }
0x25: {  	[simem:s6], [sflag:s4] =	dma.local [hbm:s3], $0xF7A  }
0x26: {  	[smem:$0x3F9F] =	sst s1;
	(tag) =	ssettag s2;
	_ =	strace s9  }
0x27: {  	s1 =	sld [smem:$0x3FAF]  }
0x28: {  	s2 =	sld [smem:$0x3FB0]  }
0x29: {  	s4 =	sld [smem:$0x3FB2]  }
0x2a: {  	p0 =	seq.s32 s5, $0x0;
	s5 =	sld [smem:$0x3FB3]  }
0x2b: {  	s6 =	sld [smem:$0x3FB4]  }
0x2c: {  	s7 =	sld [smem:$0x3FB5]  }
0x2d: {  	s3 =	simm.s32 $0x108;
	s8 =	sld [smem:$0x3FB6]  }
0x2e: {  	s3 =	simm.s32 @!p0 $0x1082;
	s9 =	sld [smem:$0x3FB7]  }
0x2f: {  	lr =	sadd.s32 s0, s3;
	s0 =	sld [smem:$0x3FAE]  }
0x30: {  	s3 =	sld [smem:$0x3FB1]  }
0x31: {  	[smem:$0x3FBA] =	sst s10  }
0x32: {  	s10 =	sld [smem:$0x3FB8];
	_ =	sdelay $0x3  }
0x33: {  	p0 =	seq.s32 s10, $0x1;
	s10 =	sld [smem:$0x3FBA];
	_ =	sdelay $0x3  }
0x34: {  	[smem:$0x3FBA] =	sst s10  }
0x35: {  	s10 =	sld [smem:$0x3FB9];
	_ =	sdelay $0x3  }
0x36: {  	p1 =	seq.s32 s10, $0x1;
	s10 =	sld [smem:$0x3FBA];
	_ =	sdelay $0x3  }
0x37: {  	[smem:$0x3FBA] =	sst s10  }
0x38: {  	s10 =	sld [smem:$0x3FBB]  }
0x39: {  	_ = 	snop;
	(pc) =	sbr.ind lr, $3  }
0x3a: {  	_ = 	snop  }
0x3b: {  	_ = 	snop  }
0x3c: {  	p2 =	seq.s32 s10, $0x1;
	s10 =	sld [smem:$0x3FBA]  }
0x3d: {  	_ =	shalt  }
0x3e: {  	_ =	shalt  }
0x3f: {  	_ =	shalt  }
0x40: {  	_ =	shalt  }
0x41: {  	_ =	shalt  }
0x42: {  	_ =	shalt  }
0x43: {  	_ =	shalt  }
0x44: {  	_ =	shalt  }
0x45: {  	_ =	shalt  }
0x46: {  	_ =	shalt  }
0x47: {  	_ =	shalt  }
0x48: {  	_ =	shalt  }
0x49: {  	_ =	shalt  }
0x4a: {  	_ =	shalt  }
0x4b: {  	_ =	shalt  }
0x4c: {  	_ =	shalt  }
0x4d: {  	_ =	shalt  }
0x4e: {  	_ =	shalt  }
0x4f: {  	_ =	shalt  }
0x50: {  	_ =	shalt  }
0x51: {  	_ =	shalt  }
0x52: {  	_ =	shalt  }
0x53: {  	_ =	shalt  }
0x54: {  	_ =	shalt  }
0x55: {  	_ =	shalt  }
0x56: {  	_ =	shalt  }
0x57: {  	_ =	shalt  }
0x58: {  	_ =	shalt  }
0x59: {  	_ =	shalt  }
0x5a: {  	_ =	shalt  }
0x5b: {  	_ =	shalt  }
0x5c: {  	_ =	shalt  }
0x5d: {  	_ =	shalt  }
0x5e: {  	_ =	shalt  }
0x5f: {  	_ =	shalt  }
0x60: {  	_ =	shalt  }
0x61: {  	_ =	shalt  }
0x62: {  	_ =	shalt  }
0x63: {  	_ =	shalt  }
0x64: {  	_ =	shalt  }
0x65: {  	_ =	shalt  }
0x66: {  	_ =	shalt  }
0x67: {  	_ =	shalt  }
0x68: {  	_ =	shalt  }
0x69: {  	_ =	shalt  }
0x6a: {  	_ =	shalt  }
0x6b: {  	_ =	shalt  }
0x6c: {  	_ =	shalt  }
0x6d: {  	_ =	shalt  }
0x6e: {  	_ =	shalt  }
0x6f: {  	_ =	shalt  }
0x70: {  	_ =	shalt  }
0x71: {  	_ =	shalt  }
0x72: {  	_ =	shalt  }
0x73: {  	_ =	shalt  }
0x74: {  	_ =	shalt  }
0x75: {  	_ =	shalt  }
0x76: {  	_ =	shalt  }
0x77: {  	_ =	shalt  }
0x78: {  	_ =	shalt  }
0x79: {  	_ =	shalt  }
0x7a: {  	_ =	shalt  }
0x7b: {  	_ =	shalt  }
0x7c: {  	_ =	shalt  }
0x7d: {  	_ =	shalt  }
0x7e: {  	_ =	shalt  }
0x7f: {  	_ =	shalt  }
0x80: {  	_ =	shalt  }
0x81: {  	_ =	shalt  }
0x82: {  	_ =	shalt  }
0x83: {  	_ =	shalt  }
0x84: {  	_ =	shalt  }
0x85: {  	_ =	shalt  }
0x86: {  	_ =	shalt  }
0x87: {  	_ =	shalt  }
.Lfunc_end0:
.L_simem_size_0:
called_computation_lowered:
.L_overlay_start_0:
0x88: {  	s2 =	sld [smem:$0x3FD9]  }
0x89: {  	s3 =	sld [smem:$0x3FFE];
	_ =	sdelay $0x1  }
0x8a: {  	s1 =	srdreg.scid  }
0x8b: {  	s0 =	sand.u32 $0x1, s1  }
0x8c: {  	s17 =	sshll.u32 s0, $0xA;
	s2 =	sadd.s32 s3, s2  }
0x8d: {  	s2 =	sadd.s32 s2, s17  }
0x8e: {  	[smem:$0x3FC6] =	sst s2  }
0x8f: {  	_ = 	snop  }
0x90: {  	s2 =	sld [smem:$0x3FC9]  }
0x91: {  	s18 =	sld [smem:$0x3FD0];
	(tm) =	ssettm $0x1  }
0x92: {  	s4 =	sld [smem:$0x3FFB];
	_ =	sdelay $0x3  }
0x93: {  	_ =	strace s4  }
0x94: {  	s4 =	sld [smem:$0x3FFC];
	_ =	sdelay $0x3  }
0x95: {  	_ =	strace s4  }
0x96: {  	s4 =	sld [smem:$0x3FFD];
	_ =	sdelay $0x3  }
0x97: {  	_ =	strace s4  }
0x98: {  	_ =	strace $0x8FFFFFFF  }
0x99: {  	s19 =	sld [smem:$0x3FDB];
	_ =	sdelay $0x1  }
0x9a: {  	s5 =	simm.s32 $_scs_section_size  }
0x9b: {  	s6 =	simm.s32 $_size__tile_overlayer_lowered;
	s7 =	simm.s32 $_tile_overlayer_lowered  }
0x9c: {  	s22 =	simm.s32 $0x1BFF;
	s21 =	sshll.u32 s7, $0x1;
	s4 =	sadd.s32 s5, s19  }
0x9d: {  	s8 =	simm.s32 $0x0;
	s20 =	sshll.u32 s6, $0x1;
	s6 =	sadd.s32 s21, s4  }
0x9e: {  	[timem:s8], [sflag:s22] =	dma.local [hbm:s6], s20  }
0x9f: {  	_ =	swait.ge [sflag:s22], s20  }
0xa0: {  	s5 =	ssub.s32 $0x0, s20;
	[sflag:s22] =	ssyncset.done $0x0  }
0xa1: {  	[sflag:s22] =	ssyncadd.s32 s5;
	_ =	sdelay $0x1  }
0xa2: {  	s23 =	simm.s32 $0x1B8B  }
0xa3: {  	_ =	swait.ge [sflag:s23], $0x1  }
0xa4: {  	[sflag:s23] =	ssyncset.done $0x0  }
0xa5: {  	s25 =	simm.s32 $0x1B8E;
	s24 =	sld [smem:$0x3FFE];
	[sflag:s23] =	ssyncadd.s32 $0xFFFFFFFF  }
0xa6: {  	s26 =	simm.s32 $execute0_lowered;
	[smem:$0x3FD2] =	sst s25  }
0xa7: {  	s6 =	sshll.u32 s26, $0x1;
	_ =	strace $0x80000046;
	[dreg:$0x1] =	wrdreg $0xFFFFFFFF  }
0xa8: {  	s28 =	simm.s32 $_size_execute0_lowered;
	s4 =	sadd.s32 s4, s6;
	[dreg:$0x0] =	wrdreg $0x0  }
0xa9: {  	s6 =	sshll.u32 s28, $0x1;
	[dreg:$0x2] =	wrdreg s4  }
0xaa: {  	[dreg:$0x3] =	wrdreg s6  }
0xab: {  	[dreg:$0x4] =	wrdreg $0xC0  }
0xac: {  	_ =	task [dreg:s8], $0x5FFFF  }
0xad: {  	[dreg:$0x1] =	wrdreg $0xFFFFFFFF  }
0xae: {  	[dreg:$0x0] =	wrdreg $0x60  }
0xaf: {  	[dreg:$0x2] =	wrdreg s2  }
0xb0: {  	[dreg:$0x3] =	wrdreg s18  }
0xb1: {  	[dreg:$0x4] =	wrdreg s24  }
0xb2: {  	[dreg:$0x5] =	wrdreg $0x9  }
0xb3: {  	_ =	task.clear_ibuf [dreg:s8], $0x6FFFF;
	_ =	strace $0x90000046  }
0xb4: {  	s29 =	simm.s32 $0x9;
	_ =	strace $0x80000048  }
0xb5: {  	_ =	swait.ge [sflag:s29], $0x1  }
0xb6: {  	[sflag:s29] =	ssyncadd.s32 $0xFFFFFFFF  }
0xb7: {  	_ =	strace $0x90000048  }
0xb8: {  	_ =	sfence  }
0xb9: {  	s30 =	sld [smem:$0x0];
	_ =	sdelay $0x2  }
0xba: {  	s31 =	sshll.u32 s1, $0xD;
	s1 =	sshrl.u32 s1, $0x2  }
0xbb: {  	s3 =	sand.u32 $0x4000, s31;
	s1 =	sadd.s32 s1, s30  }
0xbc: {  	s0 =	sor.u32 s3, s0;
	s1 =	sshll.u32 s1, $0x11  }
0xbd: {  	s0 =	sor.u32 s1, s0  }
0xbe: {  	s0 =	sadd.s32 $0x8F2B, s0  }
0xbf: {  	[sflag:s0] =	ssyncadd.remote.s32 $0x1  }
0xc0: {  	_ =	sfence.sel $0xFFFF  }
0xc1: {  	[dreg:$0x0] =	wrdreg $0xFFFFFFFF;
	(pc) =	sbr.abs _section_cstart, $3  }
0xc2: {  	[dreg:$0x1] =	wrdreg $0xFFFFFFFF  }
0xc3: {  	_ =	task.clear_ibuf [dreg:s8], $0x2FFFF;
	_ =	strace $0x9FFFFFFF  }
0xc4: {  	(tm) =	ssettm $0x7FFFFFFF  }
0xc5: {  	_ =	shalt  }
tec
execute0_lowered:
.L_overlay_start_1:
0x0: {  	(tag) =	ssettag $0x1  }
0x1: {  	s4 =	rddreg [dreg:$0x0]  }
0x2: {  	s2 =	rddreg [dreg:$0x1]  }
0x3: {  	s5 =	rddreg [dreg:$0x2];
	s3 =	srdreg.scid  }
0x4: {  	s0 =	rddreg [dreg:$0x3];
	s1 =	stileid.u32  }
0x5: {  	s9 =	simm.s32 $0x1;
	s10 =	simm.s32 $0x4200;
	s11 =	simm.s32 $0x0  }
0x6: {  	s6 =	sand.u32 $0x1, s3;
	s3 =	simm.s32 $0x0;
	s7 =	sshll.u32 s1, $0xA  }
0x7: {  	s8 =	sshll.u32 s6, $0x9;
	[smem:$0x7FF] =	sst s3;
	s6 =	ssub.s32 $0x2, s6  }
0x8: {  	s7 =	sor.u32 s8, s7;
	_ =	strace $0x80000047;
	s31 =	sshrl.u32 s6, $0x1  }
0x9: {  	s8 =	sshll.u32 s7, $0x4;
	s7 =	sshrl.u32 s7, $0x3;
	s6 =	ssub.s32 s6, s31  }
0xa: {  	s5 =	sadd.s32 s8, s5;
	s4 =	sadd.s32 s4, s7;
	s6 =	smax.u32 s6, $0x1  }
0xb: {  	v0 =	vlaneseq.u32;
	s7 =	simm.s32 $0x4000;
	s8 =	simm.s32 $0x2;
	s5 =	sadd.s32 $0x400, s5  }
.LBB2_1:
0xc: {  	[tilespmem:s3], [sflag:$0x1] =	stream.linear.gather [hbm4b:s2+s3], $0x4000, $0x38;
	[tilespmem:$0x14200] =	vst v63  }
0xd: {  	_ = 	snop  }
0xe: {  	[tilespmem:s7], [sflag:$0x2] =	stream.linear.gather [hbm4b:s4+s3], $0x200, $0x38;
	[tilespmem:$0x14200] =	vst v63  }
0xf: {  	_ =	swait.ge [sflag:s8], $0x200  }
0x10: {  	[sflag:s8] =	ssyncset.done $0x0  }
0x11: {  	[sflag:s8] =	ssyncadd.s32 $0xFFFFFE00  }
0x12: {  	_ =	swait.ge [sflag:s9], $0x4000  }
0x13: {  	[sflag:s9] =	ssyncset.done $0x0  }
0x14: {  	[sflag:s9] =	ssyncadd.s32 $0xFFFFC000  }
0x15: {  	v1 =	vld [tilespmem:$0x4000]  }
0x16: {  	v2 =	vld [tilespmem:$0x4010]  }
0x17: {  	v3 =	vld [tilespmem:$0x4020]  }
0x18: {  	v4 =	vld [tilespmem:$0x4030]  }
0x19: {  	v5 =	vld [tilespmem:$0x4040]  }
0x1a: {  	v6 =	vld [tilespmem:$0x4050];
	vm0 =	vlt.u32 v1, $0x3E8;
	v1 =	vadd.s32 $0x1, v1  }
0x1b: {  	v7 =	vld [tilespmem:$0x4060];
	vm9 =	vlt.u32 v2, $0x3E8;
	v2 =	vadd.s32 $0x1, v2;
	v1 =	vnsel vm0, $0x0, v1  }
0x1c: {  	vm10 =	vlt.u32 v3, $0x3E8;
	[tilespmem:$0x4000] =	vst v1;
	v1 =	vnsel vm9, $0x0, v2;
	v2 =	vadd.s32 $0x1, v3;
	v3 =	vld [tilespmem:$0x4070]  }
0x1d: {  	vm11 =	vlt.u32 v4, $0x3E8;
	[tilespmem:$0x4010] =	vst v1;
	v1 =	vnsel vm10, $0x0, v2;
	v2 =	vadd.s32 $0x1, v4;
	v4 =	vld [tilespmem:$0x4080]  }
0x1e: {  	vm12 =	vlt.u32 v5, $0x3E8;
	[tilespmem:$0x4020] =	vst v1;
	v1 =	vnsel vm11, $0x0, v2;
	v2 =	vadd.s32 $0x1, v5;
	v5 =	vld [tilespmem:$0x4090]  }
0x1f: {  	vm13 =	vlt.u32 v6, $0x3E8;
	[tilespmem:$0x4030] =	vst v1;
	v1 =	vnsel vm12, $0x0, v2;
	v2 =	vadd.s32 $0x1, v6;
	v6 =	vld [tilespmem:$0x40A0]  }
0x20: {  	vm14 =	vlt.u32 v7, $0x3E8;
	[tilespmem:$0x4040] =	vst v1;
	v1 =	vnsel vm13, $0x0, v2;
	v2 =	vadd.s32 $0x1, v7;
	v7 =	vld [tilespmem:$0x40B0]  }
0x21: {  	[tilespmem:$0x4050] =	vst v1;
	v1 =	vnsel vm14, $0x0, v2;
	vm15 =	vlt.u32 v3, $0x3E8;
	v2 =	vadd.s32 $0x1, v3;
	v3 =	vld [tilespmem:$0x40C0]  }
0x22: {  	[tilespmem:$0x4060] =	vst v1;
	v1 =	vnsel vm15, $0x0, v2;
	vm4 =	vlt.u32 v4, $0x3E8;
	v2 =	vadd.s32 $0x1, v4;
	v4 =	vld [tilespmem:$0x40D0]  }
0x23: {  	[tilespmem:$0x4070] =	vst v1;
	v1 =	vnsel vm4, $0x0, v2;
	vm5 =	vlt.u32 v5, $0x3E8;
	v2 =	vadd.s32 $0x1, v5;
	v5 =	vld [tilespmem:$0x40E0]  }
0x24: {  	[tilespmem:$0x4080] =	vst v1;
	v1 =	vnsel vm5, $0x0, v2;
	vm6 =	vlt.u32 v6, $0x3E8;
	v2 =	vadd.s32 $0x1, v6;
	v6 =	vld [tilespmem:$0x40F0]  }
0x25: {  	[tilespmem:$0x4090] =	vst v1;
	v1 =	vnsel vm6, $0x0, v2;
	vm7 =	vlt.u32 v7, $0x3E8;
	v2 =	vadd.s32 $0x1, v7;
	v7 =	vld [tilespmem:$0x4100]  }
0x26: {  	[tilespmem:$0x40A0] =	vst v1;
	v1 =	vnsel vm7, $0x0, v2;
	vm8 =	vlt.u32 v3, $0x3E8;
	v2 =	vadd.s32 $0x1, v3;
	v3 =	vld [tilespmem:$0x4110]  }
0x27: {  	[tilespmem:$0x40B0] =	vst v1;
	v1 =	vnsel vm8, $0x0, v2;
	vm9 =	vlt.u32 v4, $0x3E8;
	v2 =	vadd.s32 $0x1, v4;
	v4 =	vld [tilespmem:$0x4120]  }
0x28: {  	[tilespmem:$0x40C0] =	vst v1;
	v1 =	vnsel vm9, $0x0, v2;
	vm10 =	vlt.u32 v5, $0x3E8;
	v2 =	vadd.s32 $0x1, v5;
	v5 =	vld [tilespmem:$0x4130]  }
0x29: {  	[tilespmem:$0x40D0] =	vst v1;
	v1 =	vnsel vm10, $0x0, v2;
	vm11 =	vlt.u32 v6, $0x3E8;
	v2 =	vadd.s32 $0x1, v6;
	v6 =	vld [tilespmem:$0x4140]  }
0x2a: {  	[tilespmem:$0x40E0] =	vst v1;
	v1 =	vnsel vm11, $0x0, v2;
	vm12 =	vlt.u32 v7, $0x3E8;
	v2 =	vadd.s32 $0x1, v7;
	v7 =	vld [tilespmem:$0x4150]  }
0x2b: {  	[tilespmem:$0x40F0] =	vst v1;
	v1 =	vnsel vm12, $0x0, v2;
	vm13 =	vlt.u32 v3, $0x3E8;
	v2 =	vadd.s32 $0x1, v3;
	v3 =	vld [tilespmem:$0x4160]  }
0x2c: {  	[tilespmem:$0x4100] =	vst v1;
	v1 =	vnsel vm13, $0x0, v2;
	vm14 =	vlt.u32 v4, $0x3E8;
	v2 =	vadd.s32 $0x1, v4;
	v4 =	vld [tilespmem:$0x4170]  }
0x2d: {  	[tilespmem:$0x4110] =	vst v1;
	v1 =	vnsel vm14, $0x0, v2;
	vm15 =	vlt.u32 v5, $0x3E8;
	v2 =	vadd.s32 $0x1, v5;
	v5 =	vld [tilespmem:$0x4180]  }
0x2e: {  	[tilespmem:$0x4120] =	vst v1;
	v1 =	vnsel vm15, $0x0, v2;
	vm4 =	vlt.u32 v6, $0x3E8;
	v2 =	vadd.s32 $0x1, v6;
	v6 =	vld [tilespmem:$0x4190]  }
0x2f: {  	[tilespmem:$0x4130] =	vst v1;
	v1 =	vnsel vm4, $0x0, v2;
	vm5 =	vlt.u32 v7, $0x3E8;
	v2 =	vadd.s32 $0x1, v7;
	v7 =	vld [tilespmem:$0x41A0]  }
0x30: {  	[tilespmem:$0x4140] =	vst v1;
	v1 =	vnsel vm5, $0x0, v2;
	vm6 =	vlt.u32 v3, $0x3E8;
	v2 =	vadd.s32 $0x1, v3;
	v3 =	vld [tilespmem:$0x41B0]  }
0x31: {  	[tilespmem:$0x4150] =	vst v1;
	v1 =	vnsel vm6, $0x0, v2;
	vm7 =	vlt.u32 v4, $0x3E8;
	v2 =	vadd.s32 $0x1, v4;
	v4 =	vld [tilespmem:$0x41C0]  }
0x32: {  	[tilespmem:$0x4160] =	vst v1;
	v1 =	vnsel vm7, $0x0, v2;
	vm8 =	vlt.u32 v5, $0x3E8;
	v2 =	vadd.s32 $0x1, v5;
	v5 =	vld [tilespmem:$0x41D0]  }
0x33: {  	[tilespmem:$0x4170] =	vst v1;
	v1 =	vnsel vm8, $0x0, v2;
	vm9 =	vlt.u32 v6, $0x3E8;
	v2 =	vadd.s32 $0x1, v6;
	v6 =	vld [tilespmem:$0x41E0]  }
0x34: {  	[tilespmem:$0x4180] =	vst v1;
	v1 =	vnsel vm9, $0x0, v2;
	vm10 =	vlt.u32 v7, $0x3E8;
	v2 =	vadd.s32 $0x1, v7;
	v7 =	vld [tilespmem:$0x41F0]  }
0x35: {  	[tilespmem:$0x4190] =	vst v1;
	v1 =	vnsel vm10, $0x0, v2;
	vm11 =	vlt.u32 v3, $0x3E8;
	v2 =	vadd.s32 $0x1, v3  }
0x36: {  	[tilespmem:$0x41A0] =	vst v1;
	v1 =	vnsel vm11, $0x0, v2;
	vm12 =	vlt.u32 v4, $0x3E8;
	v2 =	vadd.s32 $0x1, v4  }
0x37: {  	[tilespmem:$0x41B0] =	vst v1;
	v1 =	vnsel vm12, $0x0, v2;
	vm13 =	vlt.u32 v5, $0x3E8;
	v2 =	vadd.s32 $0x1, v5  }
0x38: {  	[tilespmem:$0x41C0] =	vst v1;
	v1 =	vnsel vm13, $0x0, v2;
	vm14 =	vlt.u32 v6, $0x3E8;
	v2 =	vadd.s32 $0x1, v6  }
0x39: {  	[tilespmem:$0x41D0] =	vst v1;
	v1 =	vnsel vm14, $0x0, v2;
	vm15 =	vlt.u32 v7, $0x3E8;
	v2 =	vadd.s32 $0x1, v7  }
0x3a: {  	s12 =	simm.s32 $0x0;
	s16 =	simm.s32 $0x1;
	s14 =	simm.s32 $0xFFFFFFF7;
	[tilespmem:$0x41E0] =	vst v1;
	v1 =	vnsel vm15, $0x0, v2  }
0x3b: {  	s15 =	simm.s32 $0x4;
	s17 =	simm.s32 $0x2;
	s13 =	sand.u32 $0x1F0, s12;
	[tilespmem:$0x41F0] =	vst v1  }
0x3c: {  	s18 =	simm.s32 $0x5;
	s21 =	simm.s32 $0x6;
	s25 =	simm.s32 $0xFFFFFFFF;
	v2 =	vld [tilespmem:s13+$0x4000]  }
0x3d: {  	s15 =	sand.u32 $0xC, s15;
	s20 =	sand.u32 $0xD, s18;
	s18 =	simm.s32 $0xA  }
0x3e: {  	s12 =	sand.u32 $0x8, s12;
	s22 =	sand.u32 $0xE, s21;
	v15 =	vmov s25;
	v8 =	vmov s20;
	s30 =	sand.u32 $0xA, s18  }
0x3f: {  	s19 =	sand.u32 $0xA, s17;
	v9 =	vmov s22;
	v16 =	vmov s30;
	v4 =	vmov s12;
	s13 =	sand.u32 $0x9, s16;
	s16 =	simm.s32 $0x3  }
0x40: {  	v6 =	vmov s14;
	v7 =	vmov s19;
	v1 =	vmov s15;
	s16 =	sand.u32 $0xB, s16  }
0x41: {  	v5 =	vmov s16;
	v4 =	vperm.xlane v2, v4;
	v6 =	vperm.xlane v2, v6  }
0x42: {  	v3 =	vmov s13;
	v7 =	vperm.xlane v2, v7;
	v5 =	vperm.xlane v2, v5  }
0x43: {  	v1 =	vperm.xlane v2, v1;
	v9 =	vperm.xlane v2, v9;
	v4 =	vshll.u32 v4, $0x4  }
0x44: {  	s12 =	simm.s32 $0x8;
	v3 =	vperm.xlane v2, v3;
	v5 =	vshll.u32 v5, $0x4;
	v10 =	vor.u32 v0, v4  }
0x45: {  	s23 =	sand.u32 $0x1F0, s12;
	v7 =	vshll.u32 v7, $0x4;
	v4 =	vperm.xlane v2, v8;
	v5 =	vor.u32 v0, v5  }
0x46: {  	s26 =	simm.s32 $0xC;
	v6 =	vshll.u32 v6, $0x4;
	v7 =	vor.u32 v0, v7;
	v8 =	vshll.u32 v1, $0x4;
	v1 =	vld [tilespmem:s23+$0x4000]  }
0x47: {  	s28 =	simm.s32 $0xD;
	s15 =	sand.u32 $0xC, s26;
	v3 =	vshll.u32 v3, $0x4;
	v6 =	vor.u32 v0, v6;
	v2 =	vshll.u32 v4, $0x4  }
0x48: {  	s24 =	simm.s32 $0x9;
	v12 =	vmov s15;
	s16 =	sand.u32 $0xD, s28;
	v3 =	vor.u32 v0, v3;
	v14 =	vor.u32 v0, v2  }
0x49: {  	s29 =	simm.s32 $0xB;
	s17 =	sand.u32 $0x8, s12;
	s13 =	sand.u32 $0x9, s24;
	v18 =	vor.u32 v0, v8;
	v8 =	vmov s16;
	v4 =	vshll.u32 v9, $0x4;
	v9 =	vld.idx.msk [tilespmem:v10+s3+$0x0], $0xffff  }
0x4a: {  	s31 =	simm.s32 $0xE;
	v2 =	vmov s13;
	v4 =	vor.u32 v0, v4;
	s13 =	sand.u32 $0xB, s29;
	v10 =	vmov s17;
	v11 =	vld.idx.msk [tilespmem:v5+s3+$0x0], $0xffff  }
0x4b: {  	v13 =	vmov s13;
	s13 =	sand.u32 $0xE, s31;
	v19 =	vperm.xlane v1, v15;
	v7 =	vld.idx.msk [tilespmem:v7+s3+$0x0], $0xffff;
	v5 =	vperm.xlane v1, v10  }
0x4c: {  	v17 =	vmov s13;
	v10 =	vld.idx.msk [tilespmem:v6+s3+$0x0], $0xffff;
	v6 =	vperm.xlane v1, v16;
	v16 =	vperm.xlane v1, v13  }
0x4d: {  	v13 =	vperm.xlane v1, v12;
	v12 =	vperm.xlane v1, v17;
	v15 =	vshll.u32 v5, $0x4;
	v5 =	vld.idx.msk [tilespmem:v14+s3+$0x0], $0xffff  }
0x4e: {  	s14 =	simm.s32 $0x4400;
	s13 =	simm.s32 $0x4400;
	v14 =	vshll.u32 v6, $0x4;
	v17 =	vshll.u32 v16, $0x4;
	v16 =	vshll.u32 v19, $0x4;
	v6 =	vld.idx.msk [tilespmem:v18+s3+$0x0], $0xffff  }
.LBB2_2:
0x4f: {  	v15 =	vor.u32 v0, v15;
	v17 =	vor.u32 v0, v17;
	v8 =	vperm.xlane v1, v8;
	[tilespmem:s13+$0xFFFFFE00] =	vst v9;
	s14 =	sadd.s32 $0x400, s14;
	s15 =	smov.u32 s12;
	s12 =	sadd.s32 $0x8, s12  }
0x50: {  	v14 =	vor.u32 v0, v14;
	v9 =	vshll.u32 v13, $0x4;
	v13 =	vor.u32 v0, v16;
	s16 =	sand.u32 $0x1F0, s12;
	p0 =	slt.u32 s12, $0x1F8;
	[tilespmem:s13+$0xFFFFFF80] =	vst v11;
	v16 =	vld.idx.msk [tilespmem:v4+s3+$0x0], $0xffff  }
0x51: {  	s17 =	sadd.s32 $0x9, s15;
	s18 =	sadd.s32 $0xFFFFFFFF, s15;
	v4 =	vperm.xlane v1, v2;
	v18 =	vor.u32 v0, v9;
	v1 =	vld [tilespmem:s16+$0x4000];
	v2 =	vshll.u32 v8, $0x4;
	[tilespmem:s13+$0x180] =	vst v10  }
0x52: {  	s19 =	sadd.s32 $0xD, s15;
	s16 =	sand.u32 $0x9, s17;
	s17 =	sadd.s32 $0xC, s15;
	v8 =	vshll.u32 v12, $0x4;
	v19 =	vor.u32 v0, v2;
	v20 =	vld.idx.msk [tilespmem:v3+s3+$0x0], $0xffff;
	[tilespmem:s13+$0xFFFFFF00] =	vst v7  }
0x53: {  	s19 =	sand.u32 $0xD, s19;
	v2 =	vmov s16;
	s16 =	sadd.s32 $0xB, s15;
	s17 =	sand.u32 $0xC, s17;
	v3 =	vshll.u32 v4, $0x4;
	v4 =	vor.u32 v0, v8;
	[tilespmem:s13+$0x80] =	vst v5  }
0x54: {  	s20 =	sand.u32 $0x8, s12;
	s21 =	sadd.s32 $0xA, s15;
	v8 =	vmov s19;
	s16 =	sand.u32 $0xB, s16;
	v5 =	vmov s17;
	v3 =	vor.u32 v0, v3;
	v9 =	vld.idx.msk [tilespmem:v15+s3+$0x0], $0xffff;
	[tilespmem:s13+$0x0] =	vst v6  }
.Ltmp0:
0x55: {  	v10 =	vmov s18;
	s15 =	sadd.s32 $0xE, s15;
	s17 =	sand.u32 $0xA, s21;
	v6 =	vmov s20;
	v7 =	vmov s16;
	v11 =	vld.idx.msk [tilespmem:v17+s3+$0x0], $0xffff;
	(pc) =	sbr.rel @p0 .LBB2_2-.Ltmp0, $4  }
0x56: {  	s15 =	sand.u32 $0xE, s15;
	v12 =	vmov s17;
	v6 =	vperm.xlane v1, v6;
	v21 =	vperm.xlane v1, v10;
	v10 =	vld.idx.msk [tilespmem:v13+s3+$0x0], $0xffff  }
0x57: {  	v17 =	vperm.xlane v1, v12;
	v22 =	vperm.xlane v1, v7;
	v12 =	vmov s15;
	v7 =	vld.idx.msk [tilespmem:v14+s3+$0x0], $0xffff;
	[tilespmem:s13+$0x100] =	vst v16  }
0x58: {  	v13 =	vperm.xlane v1, v5;
	v12 =	vperm.xlane v1, v12;
	v15 =	vshll.u32 v6, $0x4;
	v5 =	vld.idx.msk [tilespmem:v19+s3+$0x0], $0xffff;
	[tilespmem:s13+$0xFFFFFE80] =	vst v20;
	s13 =	smov.u32 s14  }
0x59: {  	v14 =	vshll.u32 v17, $0x4;
	v17 =	vshll.u32 v22, $0x4;
	v16 =	vshll.u32 v21, $0x4;
	v6 =	vld.idx.msk [tilespmem:v18+s3+$0x0], $0xffff  }
0x5a: {  	_ = 	snop  }
0x5b: {  	v15 =	vor.u32 v0, v15  }
0x5c: {  	v17 =	vor.u32 v0, v17  }
0x5d: {  	[tilespmem:s13+$0xFFFFFE00] =	vst v9;
	v55 =	vor.u32 v0, v16  }
0x5e: {  	v8 =	vperm.xlane v1, v8;
	v14 =	vor.u32 v0, v14;
	[tilespmem:s13+$0xFFFFFF80] =	vst v11;
	v4 =	vld.idx.msk [tilespmem:v4+s3+$0x0], $0xffff;
	v56 =	vshll.u32 v13, $0x4  }
0x5f: {  	v1 =	vperm.xlane v1, v2;
	v3 =	vld.idx.msk [tilespmem:v3+s3+$0x0], $0xffff;
	v58 =	vshll.u32 v12, $0x4;
	[tilespmem:s13+$0x180] =	vst v10;
	v57 =	vor.u32 v0, v56  }
0x60: {  	v10 =	vor.u32 v0, v58;
	v8 =	vshll.u32 v8, $0x4;
	[tilespmem:s13+$0xFFFFFF00] =	vst v7;
	v59 =	vld.idx.msk [tilespmem:v15+s3+$0x0], $0xffff  }
0x61: {  	v1 =	vshll.u32 v1, $0x4;
	v2 =	vor.u32 v0, v8;
	[tilespmem:s13+$0x80] =	vst v5;
	v60 =	vld.idx.msk [tilespmem:v17+s3+$0x0], $0xffff  }
0x62: {  	v1 =	vor.u32 v0, v1;
	[tilespmem:s13+$0x0] =	vst v6;
	v61 =	vld.idx.msk [tilespmem:v55+s3+$0x0], $0xffff  }
0x63: {  	v62 =	vld.idx.msk [tilespmem:v14+s3+$0x0], $0xffff;
	[tilespmem:s13+$0x100] =	vst v4  }
0x64: {  	s12 =	sadd.s32 $0x400, s14;
	[tilespmem:s13+$0xFFFFFE80] =	vst v3;
	v3 =	vld.idx.msk [tilespmem:v57+s3+$0x0], $0xffff  }
0x65: {  	v63 =	vld.idx.msk [tilespmem:v10+s3+$0x0], $0xffff;
	[tilespmem:s12+$0xFFFFFE00] =	vst v59  }
0x66: {  	v2 =	vld.idx.msk [tilespmem:v2+s3+$0x0], $0xffff;
	[tilespmem:s12+$0xFFFFFF80] =	vst v60  }
0x67: {  	v1 =	vld.idx.msk [tilespmem:v1+s3+$0x0], $0xffff;
	[tilespmem:s12+$0x180] =	vst v61  }
0x68: {  	[tilespmem:s12+$0xFFFFFF00] =	vst v62  }
0x69: {  	[tilespmem:s12+$0x0] =	vst v3  }
0x6a: {  	s11 =	sadd.s32 $0x1, s11;
	[tilespmem:s12+$0x100] =	vst v63  }
0x6b: {  	p0 =	sne.s32 s11, s6;
	[tilespmem:s12+$0x80] =	vst v2  }
.Ltmp1:
0x6c: {  	[tilespmem:s12+$0xFFFFFE80] =	vst v1;
	(pc) =	sbr.rel @p0 .LBB2_1-.Ltmp1, $4  }
0x6d: {  	[hbm4b:s5+s3] =	stream.linear.scatter [tilespmem:s10], [sflag:$0x2], $0x10000, $0x38;
	[tilespmem:$0x14200] =	vst v63  }
0x6e: {  	_ =	swait.ge [sflag:s8], $0x10000  }
0x6f: {  	[sflag:s8] =	ssyncset.done $0x0  }
0x70: {  	[sflag:s8] =	ssyncadd.s32 $0xFFFF0000  }
0x71: {  	_ =	sfence.sel $0x180000  }
0x72: {  	[bflag:$0x0] =	sbarrier.arrive $0xFFFF  }
0x73: {  	p0 =	sne.s32 s1, $0x0;
	_ =	strace $0x90000047  }
0x74: {  	s0 =	sadd.s32 @!p0 $0x100000, s0;
	[bflag:$0x2] =	sbarrier.arrive $0xFFFF  }
0x75: {  	[sflag:s0] =	ssyncadd.tile.s32 @!p0 $0x1;
	_ =	shalt  }
.Lfunc_end2:
_tile_overlayer_lowered:
.L_overlay_start_2:
0x76: {  	(tag) =	ssettag $0x2  }
0x77: {  	s0 =	rddreg [dreg:$0x0];
	s2 =	stileid.u32  }
0x78: {  	s1 =	rddreg [dreg:$0x1];
	p0 =	sne.s32 s2, $0x0  }
0x79: {  	s3 =	rddreg [dreg:$0x2];
	[bflag:$0x3] =	sbarrier.arrive $0xFFFF;
	s2 =	simm.s32 @!p0 $0x1C02  }
0x7a: {  	[timem:s3], [sflag:s2] =	dma.local @!p0 [hbm:s0], s1  }
0x7b: {  	s0 =	simm.s32 @!p0 $0x2  }
0x7c: {  	_ =	swait.ge @!p0 [sflag:s0], s1  }
0x7d: {  	s1 =	ssub.s32 @!p0 $0x0, s1;
	[sflag:s0] =	ssyncset.done @!p0 $0x0  }
0x7e: {  	[sflag:s0] =	ssyncadd.s32 @!p0 s1  }
0x7f: {  	[bflag:$0x3] =	sbarrier.arrive $0xFFFF  }
0x80: {  	_ =	shalt  }

</sc_bundles>
